<compile_context>
chip_gen: v7x
topology: tpu7x:2x2x1
jax: 0.10.2.dev20260603
libtpu: 0.0.44.dev20260713+nightly
codegen_flags: <defaults>
</compile_context>

<pallas_src>
import functools

import jax
import jax.numpy as jnp
from jax import lax
from jax.experimental import pallas as pl
from jax.experimental.pallas import tpu as pltpu
from jax.experimental.pallas import tpu_sc as plsc

_N = 100000
_M = 25000
_QB = 400
_W = 896
_NCHUNK = 28
_MP = _NCHUNK * _W
_BN_EPS = 1e-5
_PADXYZ = 1.0e4
_IMAX = 0x7FFFFFFF

_BIAS = 1 << 23
_NH = 50000
_NPAD = 50176
_CQ = 112
_PER_SUBCORE = _NPAD // 32
_NSTEP = _PER_SUBCORE // _CQ


def _mm_body(x_ref, w_ref, b_ref, o_ref):
    acc = jnp.dot(x_ref[...], w_ref[...], preferred_element_type=jnp.float32)
    o_ref[...] = jnp.maximum(acc + b_ref[...], 0.0)


def _dense_relu(x, w, b, rb):
    m = x.shape[0]
    return pl.pallas_call(
        _mm_body,
        grid=(m // rb,),
        in_specs=[
            pl.BlockSpec((rb, x.shape[1]), lambda i: (i, 0)),
            pl.BlockSpec(w.shape, lambda i: (0, 0)),
            pl.BlockSpec((1, w.shape[1]), lambda i: (0, 0)),
        ],
        out_specs=pl.BlockSpec((rb, w.shape[1]), lambda i: (i, 0)),
        out_shape=jax.ShapeDtypeStruct((m, w.shape[1]), jnp.float32),
        compiler_params=pltpu.CompilerParams(
            dimension_semantics=("parallel",)),
    )(x, w, b)


def _knn_body(q_ref, f1_ref, pts_ref, w1_ref, b1_ref,
              idx_ref, wgt_ref, h1_ref, m1, m2):
    h1 = jnp.dot(f1_ref[...], w1_ref[...], preferred_element_type=jnp.float32)
    h1_ref[...] = jnp.maximum(h1 + b1_ref[...], 0.0)

    q = q_ref[...]
    qsq = jnp.sum(q * q, axis=1, keepdims=True)
    qm2 = -2.0 * q

    sent = jnp.float32(1e30)
    m1[...] = jnp.full((_QB, _W), sent, jnp.float32)
    m2[...] = jnp.full((_QB, _W), sent, jnp.float32)
    quadsel = lax.broadcasted_iota(
        jnp.int32, (1, 4 * _W), 1) // jnp.int32(_W)

    def chunk(c, carry):
        pc = pts_ref[:, pl.ds(c * (4 * _W), 4 * _W)]
        psq = jnp.sum(pc * pc, axis=0, keepdims=True)
        qp = jnp.dot(qm2, pc, preferred_element_type=jnp.float32)
        d = jnp.maximum((qsq + qp) + psq, 0.0)
        bits = lax.bitcast_convert_type(d, jnp.int32)
        cvec = (4 * c + _BIAS) + quadsel
        keyi = jnp.bitwise_and(bits, jnp.int32(-32)) + cvec
        key = lax.bitcast_convert_type(keyi, jnp.float32)
        ka = key[:, :_W]
        kb = key[:, _W:2 * _W]
        kc = key[:, 2 * _W:3 * _W]
        kd = key[:, 3 * _W:]
        lo1 = jnp.minimum(ka, kb)
        hi1 = jnp.maximum(ka, kb)
        lo2 = jnp.minimum(kc, kd)
        hi2 = jnp.maximum(kc, kd)
        l1 = jnp.minimum(lo1, lo2)
        l2 = jnp.minimum(jnp.maximum(lo1, lo2), jnp.minimum(hi1, hi2))
        a = jnp.minimum(m1[...], l1)
        t = jnp.maximum(m1[...], l1)
        m1[...] = a
        m2[...] = jnp.minimum(t, jnp.minimum(m2[...], l2))
        return carry

    lax.fori_loop(0, _NCHUNK // 4, chunk, 0)

    iota = lax.broadcasted_iota(jnp.int32, (_QB, _W), 1)
    heads = m1[...]
    keys, poss = [], []
    for t in range(3):
        mn = jnp.min(heads, axis=1, keepdims=True)
        pos = jnp.min(jnp.where(heads == mn, iota, _IMAX), axis=1,
                      keepdims=True)
        keys.append(mn)
        poss.append(pos)
        if t == 0:
            heads = jnp.where(iota == pos, m2[...], heads)
        elif t == 1:
            repl = jnp.where(pos == poss[0], sent, m2[...])
            heads = jnp.where(iota == pos, repl, heads)
    key3 = lax.bitcast_convert_type(
        jnp.concatenate(keys, axis=1), jnp.int32) - _BIAS
    pos3 = jnp.concatenate(poss, axis=1)
    cid = jnp.bitwise_and(key3, jnp.int32(31))
    idx_ref[...] = cid * _W + pos3
    d3 = lax.bitcast_convert_type(
        jnp.bitwise_and(key3, jnp.int32(-32)), jnp.float32)
    d3 = jnp.maximum(d3, 0.0)
    rec = 1.0 / (d3 + 1e-8)
    w3 = rec / jnp.sum(rec, axis=1, keepdims=True)
    wgt_ref[...] = jnp.concatenate(
        [jnp.broadcast_to(w3[:, t:t + 1], (_QB, 16)) for t in range(3)], axis=1)


def _knn_interp(point_1, feat_1, pts_t, w1, b1):
    n = point_1.shape[0]
    return pl.pallas_call(
        _knn_body,
        grid=(n // _QB,),
        in_specs=[
            pl.BlockSpec((_QB, 3), lambda i: (i, 0)),
            pl.BlockSpec((_QB, 128), lambda i: (i, 0)),
            pl.BlockSpec((3, _MP), lambda i: (0, 0)),
            pl.BlockSpec((128, 128), lambda i: (0, 0)),
            pl.BlockSpec((1, 128), lambda i: (0, 0)),
        ],
        out_specs=[
            pl.BlockSpec((_QB, 3), lambda i: (i, 0)),
            pl.BlockSpec((_QB, 48), lambda i: (i, 0)),
            pl.BlockSpec((_QB, 128), lambda i: (i, 0)),
        ],
        out_shape=[
            jax.ShapeDtypeStruct((n, 3), jnp.int32),
            jax.ShapeDtypeStruct((n, 48), jnp.float32),
            jax.ShapeDtypeStruct((n, 128), jnp.float32),
        ],
        scratch_shapes=[pltpu.VMEM((_QB, _W), jnp.float32)] * 2,
        compiler_params=pltpu.CompilerParams(
            dimension_semantics=("parallel",)),
    )(point_1, feat_1, pts_t, w1, b1)


def _sc_body(h2_hbm, h1_hbm, i0_hbm, i1_hbm, i2_hbm, w_hbm,
             out_hbm, i0v, i1v, i2v, wv,
             r0, r1, r2, h1v, outv, sem):
    wid = lax.axis_index("s") * 2 + lax.axis_index("c")
    base = wid * _PER_SUBCORE

    def step(t, carry):
        off = base + t * _CQ
        pltpu.sync_copy(i0_hbm.at[pl.ds(off, _CQ)], i0v)
        pltpu.sync_copy(i1_hbm.at[pl.ds(off, _CQ)], i1v)
        pltpu.sync_copy(i2_hbm.at[pl.ds(off, _CQ)], i2v)
        c0 = pltpu.async_copy(h2_hbm.at[i0v], r0, sem)
        c1 = pltpu.async_copy(h2_hbm.at[i1v], r1, sem)
        c2 = pltpu.async_copy(h2_hbm.at[i2v], r2, sem)
        pltpu.sync_copy(w_hbm.at[pl.ds(off, _CQ)], wv)
        pltpu.sync_copy(h1_hbm.at[pl.ds(off, _CQ)], h1v)
        c0.wait()
        c1.wait()
        c2.wait()

        def qloop(qi, c):
            a0 = wv[qi, pl.ds(0, 16)]
            a1 = wv[qi, pl.ds(16, 16)]
            a2 = wv[qi, pl.ds(32, 16)]
            for g in range(8):
                sl = pl.ds(g * 16, 16)
                outv[qi, sl] = (h1v[qi, sl] + a0 * r0[qi, sl]
                                + a1 * r1[qi, sl] + a2 * r2[qi, sl])
            return c

        lax.fori_loop(0, _CQ, qloop, 0)
        pltpu.sync_copy(outv, out_hbm.at[pl.ds(off, _CQ)])
        return carry

    lax.fori_loop(0, _NSTEP, step, 0)


@functools.lru_cache(maxsize=1)
def _sc_gather_fn():
    return functools.partial(
        pl.kernel,
        out_type=jax.ShapeDtypeStruct((_NPAD, 128), jnp.float32),
        mesh=plsc.VectorSubcoreMesh(core_axis_name="c", subcore_axis_name="s"),
        scratch_types=[
            pltpu.VMEM((_CQ,), jnp.int32),
            pltpu.VMEM((_CQ,), jnp.int32),
            pltpu.VMEM((_CQ,), jnp.int32),
            pltpu.VMEM((_CQ, 48), jnp.float32),
            pltpu.VMEM((_CQ, 128), jnp.float32),
            pltpu.VMEM((_CQ, 128), jnp.float32),
            pltpu.VMEM((_CQ, 128), jnp.float32),
            pltpu.VMEM((_CQ, 128), jnp.float32),
            pltpu.VMEM((_CQ, 128), jnp.float32),
            pltpu.SemaphoreType.DMA,
        ],
    )(_sc_body)


def _sc_gather(*args):
    return _sc_gather_fn()(*args)


def kernel(point_1, feat_1, row_splits_1, point_2, feat_2, row_splits_2,
           W1, b1, gamma1, beta1, W2, b2, gamma2, beta2):
    inv = 1.0 / jnp.sqrt(jnp.float32(1.0 + _BN_EPS))
    s1 = gamma1 * inv
    w1p = W1 * s1[None, :]
    b1p = (b1 * s1 + beta1)[None, :]
    s2 = gamma2 * inv
    w2p = W2 * s2[None, :]
    b2p = (b2 * s2 + beta2)[None, :]

    h2 = _dense_relu(feat_2, w2p, b2p, rb=1000)

    pts_t = jnp.concatenate(
        [point_2.T, jnp.full((3, _MP - _M), _PADXYZ, jnp.float32)], axis=1)

    outs = []
    pad = _NPAD - _NH
    for s in range(_N // _NH):
        sl = slice(s * _NH, (s + 1) * _NH)
        idx, wgt, h1 = _knn_interp(point_1[sl], feat_1[sl], pts_t, w1p, b1p)
        i0 = jnp.pad(idx[:, 0], (0, pad))
        i1 = jnp.pad(idx[:, 1], (0, pad))
        i2 = jnp.pad(idx[:, 2], (0, pad))
        wp = jnp.pad(wgt, ((0, pad), (0, 0)))
        h1p = jnp.pad(h1, ((0, pad), (0, 0)))
        outs.append(_sc_gather(h2, h1p, i0, i1, i2, wp)[:_NH])
    return jnp.concatenate(outs, axis=0)

# --- scband reference (transcript-rebuilt; emitter-appended) ---
"""Pipeline reference for scband-transition-up-31817117728963 (READ-ONLY COPY).

The authoritative reference and input builder live on the scoring server;
editing this copy changes nothing except your own understanding.
"""

import jax, jax.numpy as jnp
import numpy as np

N = 100000
M = 25000
IN_PLANES = 256
OUT_PLANES = 128
K = 3
CHUNK = 2000
BN_EPS = 1e-5


def setup_inputs(seed: int = 0) -> dict:
    key = jax.random.key(seed)
    ks = jax.random.split(key, 8)
    point_1 = jax.random.uniform(ks[0], (N, 3), dtype=jnp.float32) * 10.0
    feat_1 = jax.random.normal(ks[1], (N, OUT_PLANES), dtype=jnp.float32)
    point_2 = jax.random.uniform(ks[2], (M, 3), dtype=jnp.float32) * 10.0
    feat_2 = jax.random.normal(ks[3], (M, IN_PLANES), dtype=jnp.float32)
    row_splits_1 = jnp.array([0, N], dtype=jnp.int32)
    row_splits_2 = jnp.array([0, M], dtype=jnp.int32)
    # linear1: Dense(out_planes) on feat_1 (dim out_planes) + BN + ReLU
    W1 = jax.random.normal(ks[4], (OUT_PLANES, OUT_PLANES), dtype=jnp.float32) * 0.05
    b1 = jnp.zeros((OUT_PLANES,), dtype=jnp.float32)
    gamma1 = jnp.ones((OUT_PLANES,), dtype=jnp.float32)
    beta1 = jnp.zeros((OUT_PLANES,), dtype=jnp.float32)
    # linear2: Dense(out_planes) on feat_2 (dim in_planes) + BN + ReLU
    W2 = jax.random.normal(ks[5], (IN_PLANES, OUT_PLANES), dtype=jnp.float32) * 0.05
    b2 = jnp.zeros((OUT_PLANES,), dtype=jnp.float32)
    gamma2 = jnp.ones((OUT_PLANES,), dtype=jnp.float32)
    beta2 = jnp.zeros((OUT_PLANES,), dtype=jnp.float32)
    return {
        'point_1': point_1, 'feat_1': feat_1, 'row_splits_1': row_splits_1,
        'point_2': point_2, 'feat_2': feat_2, 'row_splits_2': row_splits_2,
        'W1': W1, 'b1': b1, 'gamma1': gamma1, 'beta1': beta1,
        'W2': W2, 'b2': b2, 'gamma2': gamma2, 'beta2': beta2,
    }


def _knn(points, queries, k):
    # brute-force knn, chunked over queries to bound memory
    p_sq = jnp.sum(points * points, axis=1)
    n = queries.shape[0]
    qc = queries.reshape(n // CHUNK, CHUNK, 3)

    def body(q):
        d = jnp.sum(q * q, axis=1, keepdims=True) - 2.0 * (q @ points.T) + p_sq[None, :]
        d = jnp.maximum(d, 0.0)
        neg_top, idx = jax.lax.top_k(-d, k)
        return -neg_top, idx

    dists, idxs = jax.lax.map(body, qc)
    return dists.reshape(n, k), idxs.reshape(n, k)


def _interp_weights(points, queries, k):
    dist, idx = _knn(points, queries, k)
    dist_recip = 1.0 / (dist + 1e-8)
    norm = jnp.sum(dist_recip, axis=1, keepdims=True)
    weight = dist_recip / norm
    return idx, weight


def _bn_inference(x, gamma, beta):
    # Keras BatchNormalization at inference: moving_mean=0, moving_var=1
    return gamma * (x / np.sqrt(1.0 + BN_EPS)) + beta


def reference(point_1, feat_1, row_splits_1, point_2, feat_2, row_splits_2,
              W1, b1, gamma1, beta1, W2, b2, gamma2, beta2):
    # linear1(feat_1)
    h1 = jax.nn.relu(_bn_inference(feat_1 @ W1 + b1, gamma1, beta1))
    # linear2(feat_2)
    h2 = jax.nn.relu(_bn_inference(feat_2 @ W2 + b2, gamma2, beta2))
    # interpolation(point_2, point_1, h2): knn in coarse cloud, idw-weighted gather
    idx, weight = _interp_weights(point_2, point_1, K)
    new_feat = jnp.zeros((point_1.shape[0], h2.shape[1]), dtype=h2.dtype)
    for i in range(K):
        new_feat = new_feat + jnp.take(h2, idx[:, i], axis=0) * weight[:, i:i + 1]
    return h1 + new_feat

if __name__ == "__main__":
    import jax
    _d = setup_inputs()
    print(jax.jit(kernel)(*tuple(_d.values())))

</pallas_src>

<mosaic_0001>
#map = affine_map<(d0, d1) -> (0, 0)>
#map1 = affine_map<(d0, d1) -> (0)>
module attributes {stable_mosaic.version = 14 : i64} {
  func.func @_sc_body(%arg0: i32, %arg1: i32, %arg2: memref<25000x128xf32, #tpu.memory_space<hbm>>, %arg3: memref<50176x128xf32, #tpu.memory_space<hbm>>, %arg4: memref<50176xi32, #tpu.memory_space<hbm>>, %arg5: memref<50176xi32, #tpu.memory_space<hbm>>, %arg6: memref<50176xi32, #tpu.memory_space<hbm>>, %arg7: memref<50176x48xf32, #tpu.memory_space<hbm>>, %arg8: memref<50176x128xf32, #tpu.memory_space<hbm>>, %arg9: memref<112xi32, #tpu.memory_space<vmem>>, %arg10: memref<112xi32, #tpu.memory_space<vmem>>, %arg11: memref<112xi32, #tpu.memory_space<vmem>>, %arg12: memref<112x48xf32, #tpu.memory_space<vmem>>, %arg13: memref<112x128xf32, #tpu.memory_space<vmem>>, %arg14: memref<112x128xf32, #tpu.memory_space<vmem>>, %arg15: memref<112x128xf32, #tpu.memory_space<vmem>>, %arg16: memref<112x128xf32, #tpu.memory_space<vmem>>, %arg17: memref<112x128xf32, #tpu.memory_space<vmem>>, %arg18: memref<!tpu.dma_semaphore, #tpu.memory_space<semaphore_mem>>) attributes {dimension_semantics = [#tpu.dimension_semantics<core_parallel>, #tpu.dimension_semantics<subcore_parallel>], iteration_bounds = array<i64: 2, 16>, scalar_prefetch = 0 : i64, scratch_operands = 10 : i64, tpu.core_type = #tpu.core_type<sc_vector_subcore>, window_params = [{transform_indices = #map}, {transform_indices = #map}, {transform_indices = #map1}, {transform_indices = #map1}, {transform_indices = #map1}, {transform_indices = #map}, {transform_indices = #map}]} {
    %mul3A = arith.constant 2 : i32
    %mul3A_0 = arith.muli %arg1, %mul3A : i32
    %add3A = arith.addi %mul3A_0, %arg0 : i32
    %mul3A_1 = arith.constant 1568 : i32
    %mul3A_2 = arith.muli %add3A, %mul3A_1 : i32
    %scan3A = arith.constant 0 : i32
    %scan3A_3 = arith.constant 0 : i32
    %scan3A_4 = arith.constant 14 : i32
    %scan3A_5 = arith.addi %scan3A_3, %scan3A_4 : i32
    %scan3A_6 = arith.constant 1 : i32
    scf.for %scan3A_8 = %scan3A_3 to %scan3A_5 step %scan3A_6  : i32 {
      %mul3A_9 = arith.constant 112 : i32
      %mul3A_10 = arith.muli %scan3A_8, %mul3A_9 : i32
      %add3A_11 = arith.addi %mul3A_2, %mul3A_10 : i32
      "tpu.region"() ({
        %run_scoped3A = tpu.sem_alloc : memref<!tpu.dma_semaphore, #tpu.memory_space<semaphore_mem>>
        %dma_start3A_34 = tpu.memref_slice %arg4[%add3A_11] : memref<50176xi32, #tpu.memory_space<hbm>> -> memref<112xi32, #tpu.memory_space<hbm>>
        %dma_start3A_35 = tpu.memref_slice %arg4[%add3A_11] : memref<50176xi32, #tpu.memory_space<hbm>> -> memref<112xi32, #tpu.memory_space<hbm>>
        tpu.enqueue_dma source(%dma_start3A_35 : memref<112xi32, #tpu.memory_space<hbm>>) target(%arg9 : memref<112xi32, #tpu.memory_space<vmem>>) target_semaphore(%run_scoped3A : memref<!tpu.dma_semaphore, #tpu.memory_space<semaphore_mem>>)
        %dma_wait3A_36 = tpu.memref_slice %arg4[%add3A_11] : memref<50176xi32, #tpu.memory_space<hbm>> -> memref<112xi32, #tpu.memory_space<hbm>>
        %dma_wait3A_37 = tpu.memref_slice %arg4[%add3A_11] : memref<50176xi32, #tpu.memory_space<hbm>> -> memref<112xi32, #tpu.memory_space<hbm>>
        tpu.wait_dma2 semaphore(%run_scoped3A : memref<!tpu.dma_semaphore, #tpu.memory_space<semaphore_mem>>) src(%dma_wait3A_37 : memref<112xi32, #tpu.memory_space<hbm>>) dst(%arg9 : memref<112xi32, #tpu.memory_space<vmem>>)
        tpu.yield
      }) : () -> ()
      "tpu.region"() ({
        %run_scoped3A = tpu.sem_alloc : memref<!tpu.dma_semaphore, #tpu.memory_space<semaphore_mem>>
        %dma_start3A_34 = tpu.memref_slice %arg5[%add3A_11] : memref<50176xi32, #tpu.memory_space<hbm>> -> memref<112xi32, #tpu.memory_space<hbm>>
        %dma_start3A_35 = tpu.memref_slice %arg5[%add3A_11] : memref<50176xi32, #tpu.memory_space<hbm>> -> memref<112xi32, #tpu.memory_space<hbm>>
        tpu.enqueue_dma source(%dma_start3A_35 : memref<112xi32, #tpu.memory_space<hbm>>) target(%arg10 : memref<112xi32, #tpu.memory_space<vmem>>) target_semaphore(%run_scoped3A : memref<!tpu.dma_semaphore, #tpu.memory_space<semaphore_mem>>)
        %dma_wait3A_36 = tpu.memref_slice %arg5[%add3A_11] : memref<50176xi32, #tpu.memory_space<hbm>> -> memref<112xi32, #tpu.memory_space<hbm>>
        %dma_wait3A_37 = tpu.memref_slice %arg5[%add3A_11] : memref<50176xi32, #tpu.memory_space<hbm>> -> memref<112xi32, #tpu.memory_space<hbm>>
        tpu.wait_dma2 semaphore(%run_scoped3A : memref<!tpu.dma_semaphore, #tpu.memory_space<semaphore_mem>>) src(%dma_wait3A_37 : memref<112xi32, #tpu.memory_space<hbm>>) dst(%arg10 : memref<112xi32, #tpu.memory_space<vmem>>)
        tpu.yield
      }) : () -> ()
      "tpu.region"() ({
        %run_scoped3A = tpu.sem_alloc : memref<!tpu.dma_semaphore, #tpu.memory_space<semaphore_mem>>
        %dma_start3A_34 = tpu.memref_slice %arg6[%add3A_11] : memref<50176xi32, #tpu.memory_space<hbm>> -> memref<112xi32, #tpu.memory_space<hbm>>
        %dma_start3A_35 = tpu.memref_slice %arg6[%add3A_11] : memref<50176xi32, #tpu.memory_space<hbm>> -> memref<112xi32, #tpu.memory_space<hbm>>
        tpu.enqueue_dma source(%dma_start3A_35 : memref<112xi32, #tpu.memory_space<hbm>>) target(%arg11 : memref<112xi32, #tpu.memory_space<vmem>>) target_semaphore(%run_scoped3A : memref<!tpu.dma_semaphore, #tpu.memory_space<semaphore_mem>>)
        %dma_wait3A_36 = tpu.memref_slice %arg6[%add3A_11] : memref<50176xi32, #tpu.memory_space<hbm>> -> memref<112xi32, #tpu.memory_space<hbm>>
        %dma_wait3A_37 = tpu.memref_slice %arg6[%add3A_11] : memref<50176xi32, #tpu.memory_space<hbm>> -> memref<112xi32, #tpu.memory_space<hbm>>
        tpu.wait_dma2 semaphore(%run_scoped3A : memref<!tpu.dma_semaphore, #tpu.memory_space<semaphore_mem>>) src(%dma_wait3A_37 : memref<112xi32, #tpu.memory_space<hbm>>) dst(%arg11 : memref<112xi32, #tpu.memory_space<vmem>>)
        tpu.yield
      }) : () -> ()
      %dma_start3A = arith.constant 0 : i32
      %dma_start3A_12 = arith.constant 0 : i32
      %dma_start3A_13 = tpu.memref_slice %arg2[%dma_start3A, %dma_start3A_12] : memref<25000x128xf32, #tpu.memory_space<hbm>> -> memref<25000x128xf32, #tpu.memory_space<hbm>>
      tpu.enqueue_indirect_dma source(%dma_start3A_13 : memref<25000x128xf32, #tpu.memory_space<hbm>>) target(%arg13 : memref<112x128xf32, #tpu.memory_space<vmem>>) offsets(%arg9 : memref<112xi32, #tpu.memory_space<vmem>>) semaphore(%arg18 : memref<!tpu.dma_semaphore, #tpu.memory_space<semaphore_mem>>)
      %dma_start3A_14 = arith.constant 0 : i32
      %dma_start3A_15 = arith.constant 0 : i32
      %dma_start3A_16 = tpu.memref_slice %arg2[%dma_start3A_14, %dma_start3A_15] : memref<25000x128xf32, #tpu.memory_space<hbm>> -> memref<25000x128xf32, #tpu.memory_space<hbm>>
      tpu.enqueue_indirect_dma source(%dma_start3A_16 : memref<25000x128xf32, #tpu.memory_space<hbm>>) target(%arg14 : memref<112x128xf32, #tpu.memory_space<vmem>>) offsets(%arg10 : memref<112xi32, #tpu.memory_space<vmem>>) semaphore(%arg18 : memref<!tpu.dma_semaphore, #tpu.memory_space<semaphore_mem>>)
      %dma_start3A_17 = arith.constant 0 : i32
      %dma_start3A_18 = arith.constant 0 : i32
      %dma_start3A_19 = tpu.memref_slice %arg2[%dma_start3A_17, %dma_start3A_18] : memref<25000x128xf32, #tpu.memory_space<hbm>> -> memref<25000x128xf32, #tpu.memory_space<hbm>>
      tpu.enqueue_indirect_dma source(%dma_start3A_19 : memref<25000x128xf32, #tpu.memory_space<hbm>>) target(%arg15 : memref<112x128xf32, #tpu.memory_space<vmem>>) offsets(%arg11 : memref<112xi32, #tpu.memory_space<vmem>>) semaphore(%arg18 : memref<!tpu.dma_semaphore, #tpu.memory_space<semaphore_mem>>)
      "tpu.region"() ({
        %run_scoped3A = tpu.sem_alloc : memref<!tpu.dma_semaphore, #tpu.memory_space<semaphore_mem>>
        %dma_start3A_34 = arith.constant 0 : i32
        %dma_start3A_35 = tpu.memref_slice %arg7[%add3A_11, %dma_start3A_34] : memref<50176x48xf32, #tpu.memory_space<hbm>> -> memref<112x48xf32, #tpu.memory_space<hbm>>
        %dma_start3A_36 = arith.constant 0 : i32
        %dma_start3A_37 = tpu.memref_slice %arg7[%add3A_11, %dma_start3A_36] : memref<50176x48xf32, #tpu.memory_space<hbm>> -> memref<112x48xf32, #tpu.memory_space<hbm>>
        tpu.enqueue_dma source(%dma_start3A_37 : memref<112x48xf32, #tpu.memory_space<hbm>>) target(%arg12 : memref<112x48xf32, #tpu.memory_space<vmem>>) target_semaphore(%run_scoped3A : memref<!tpu.dma_semaphore, #tpu.memory_space<semaphore_mem>>)
        %dma_wait3A_38 = arith.constant 0 : i32
        %dma_wait3A_39 = tpu.memref_slice %arg7[%add3A_11, %dma_wait3A_38] : memref<50176x48xf32, #tpu.memory_space<hbm>> -> memref<112x48xf32, #tpu.memory_space<hbm>>
        %dma_wait3A_40 = arith.constant 0 : i32
        %dma_wait3A_41 = tpu.memref_slice %arg7[%add3A_11, %dma_wait3A_40] : memref<50176x48xf32, #tpu.memory_space<hbm>> -> memref<112x48xf32, #tpu.memory_space<hbm>>
        tpu.wait_dma2 semaphore(%run_scoped3A : memref<!tpu.dma_semaphore, #tpu.memory_space<semaphore_mem>>) src(%dma_wait3A_41 : memref<112x48xf32, #tpu.memory_space<hbm>>) dst(%arg12 : memref<112x48xf32, #tpu.memory_space<vmem>>)
        tpu.yield
      }) : () -> ()
      "tpu.region"() ({
        %run_scoped3A = tpu.sem_alloc : memref<!tpu.dma_semaphore, #tpu.memory_space<semaphore_mem>>
        %dma_start3A_34 = arith.constant 0 : i32
        %dma_start3A_35 = tpu.memref_slice %arg3[%add3A_11, %dma_start3A_34] : memref<50176x128xf32, #tpu.memory_space<hbm>> -> memref<112x128xf32, #tpu.memory_space<hbm>>
        %dma_start3A_36 = arith.constant 0 : i32
        %dma_start3A_37 = tpu.memref_slice %arg3[%add3A_11, %dma_start3A_36] : memref<50176x128xf32, #tpu.memory_space<hbm>> -> memref<112x128xf32, #tpu.memory_space<hbm>>
        tpu.enqueue_dma source(%dma_start3A_37 : memref<112x128xf32, #tpu.memory_space<hbm>>) target(%arg16 : memref<112x128xf32, #tpu.memory_space<vmem>>) target_semaphore(%run_scoped3A : memref<!tpu.dma_semaphore, #tpu.memory_space<semaphore_mem>>)
        %dma_wait3A_38 = arith.constant 0 : i32
        %dma_wait3A_39 = tpu.memref_slice %arg3[%add3A_11, %dma_wait3A_38] : memref<50176x128xf32, #tpu.memory_space<hbm>> -> memref<112x128xf32, #tpu.memory_space<hbm>>
        %dma_wait3A_40 = arith.constant 0 : i32
        %dma_wait3A_41 = tpu.memref_slice %arg3[%add3A_11, %dma_wait3A_40] : memref<50176x128xf32, #tpu.memory_space<hbm>> -> memref<112x128xf32, #tpu.memory_space<hbm>>
        tpu.wait_dma2 semaphore(%run_scoped3A : memref<!tpu.dma_semaphore, #tpu.memory_space<semaphore_mem>>) src(%dma_wait3A_41 : memref<112x128xf32, #tpu.memory_space<hbm>>) dst(%arg16 : memref<112x128xf32, #tpu.memory_space<vmem>>)
        tpu.yield
      }) : () -> ()
      %dma_wait3A = arith.constant 0 : i32
      %dma_wait3A_20 = arith.constant 0 : i32
      %dma_wait3A_21 = tpu.memref_slice %arg2[%dma_wait3A, %dma_wait3A_20] : memref<25000x128xf32, #tpu.memory_space<hbm>> -> memref<25000x128xf32, #tpu.memory_space<hbm>>
      tpu.wait_indirect_dma semaphore(%arg18 : memref<!tpu.dma_semaphore, #tpu.memory_space<semaphore_mem>>) src(%dma_wait3A_21 : memref<25000x128xf32, #tpu.memory_space<hbm>>) dst(%arg13 : memref<112x128xf32, #tpu.memory_space<vmem>>)
      %dma_wait3A_22 = arith.constant 0 : i32
      %dma_wait3A_23 = arith.constant 0 : i32
      %dma_wait3A_24 = tpu.memref_slice %arg2[%dma_wait3A_22, %dma_wait3A_23] : memref<25000x128xf32, #tpu.memory_space<hbm>> -> memref<25000x128xf32, #tpu.memory_space<hbm>>
      tpu.wait_indirect_dma semaphore(%arg18 : memref<!tpu.dma_semaphore, #tpu.memory_space<semaphore_mem>>) src(%dma_wait3A_24 : memref<25000x128xf32, #tpu.memory_space<hbm>>) dst(%arg14 : memref<112x128xf32, #tpu.memory_space<vmem>>)
      %dma_wait3A_25 = arith.constant 0 : i32
      %dma_wait3A_26 = arith.constant 0 : i32
      %dma_wait3A_27 = tpu.memref_slice %arg2[%dma_wait3A_25, %dma_wait3A_26] : memref<25000x128xf32, #tpu.memory_space<hbm>> -> memref<25000x128xf32, #tpu.memory_space<hbm>>
      tpu.wait_indirect_dma semaphore(%arg18 : memref<!tpu.dma_semaphore, #tpu.memory_space<semaphore_mem>>) src(%dma_wait3A_27 : memref<25000x128xf32, #tpu.memory_space<hbm>>) dst(%arg15 : memref<112x128xf32, #tpu.memory_space<vmem>>)
      %scan3A_28 = arith.constant 0 : i32
      %scan3A_29 = arith.constant 0 : i32
      %scan3A_30 = arith.constant 112 : i32
      %scan3A_31 = arith.addi %scan3A_29, %scan3A_30 : i32
      %scan3A_32 = arith.constant 1 : i32
      scf.for %scan3A_34 = %scan3A_29 to %scan3A_31 step %scan3A_32  : i32 {
        %get3A = arith.index_cast %scan3A_34 : i32 to index
        %get3A_35 = arith.constant 0 : index
        %get3A_36 = tpu.vector_load %arg12[%get3A, %get3A_35] {strides = array<i32>} : memref<112x48xf32, #tpu.memory_space<vmem>>, vector<1x16xf32>,
        %get3A_37 = vector.shape_cast %get3A_36 : vector<1x16xf32> to vector<16xf32>
        %get3A_38 = arith.index_cast %scan3A_34 : i32 to index
        %get3A_39 = arith.constant 16 : index
        %get3A_40 = tpu.vector_load %arg12[%get3A_38, %get3A_39] {strides = array<i32>} : memref<112x48xf32, #tpu.memory_space<vmem>>, vector<1x16xf32>,
        %get3A_41 = vector.shape_cast %get3A_40 : vector<1x16xf32> to vector<16xf32>
        %get3A_42 = arith.index_cast %scan3A_34 : i32 to index
        %get3A_43 = arith.constant 32 : index
        %get3A_44 = tpu.vector_load %arg12[%get3A_42, %get3A_43] {strides = array<i32>} : memref<112x48xf32, #tpu.memory_space<vmem>>, vector<1x16xf32>,
        %get3A_45 = vector.shape_cast %get3A_44 : vector<1x16xf32> to vector<16xf32>
        %get3A_46 = arith.index_cast %scan3A_34 : i32 to index
        %get3A_47 = arith.constant 0 : index
        %get3A_48 = tpu.vector_load %arg16[%get3A_46, %get3A_47] {strides = array<i32>} : memref<112x128xf32, #tpu.memory_space<vmem>>, vector<1x16xf32>,
        %get3A_49 = vector.shape_cast %get3A_48 : vector<1x16xf32> to vector<16xf32>
        %get3A_50 = arith.index_cast %scan3A_34 : i32 to index
        %get3A_51 = arith.constant 0 : index
        %get3A_52 = tpu.vector_load %arg13[%get3A_50, %get3A_51] {strides = array<i32>} : memref<112x128xf32, #tpu.memory_space<vmem>>, vector<1x16xf32>,
        %get3A_53 = vector.shape_cast %get3A_52 : vector<1x16xf32> to vector<16xf32>
        %mul3A_54 = arith.mulf %get3A_37, %get3A_53 : vector<16xf32>
        %add3A_55 = arith.addf %get3A_49, %mul3A_54 : vector<16xf32>
        %get3A_56 = arith.index_cast %scan3A_34 : i32 to index
        %get3A_57 = arith.constant 0 : index
        %get3A_58 = tpu.vector_load %arg14[%get3A_56, %get3A_57] {strides = array<i32>} : memref<112x128xf32, #tpu.memory_space<vmem>>, vector<1x16xf32>,
        %get3A_59 = vector.shape_cast %get3A_58 : vector<1x16xf32> to vector<16xf32>
        %mul3A_60 = arith.mulf %get3A_41, %get3A_59 : vector<16xf32>
        %add3A_61 = arith.addf %add3A_55, %mul3A_60 : vector<16xf32>
        %get3A_62 = arith.index_cast %scan3A_34 : i32 to index
        %get3A_63 = arith.constant 0 : index
        %get3A_64 = tpu.vector_load %arg15[%get3A_62, %get3A_63] {strides = array<i32>} : memref<112x128xf32, #tpu.memory_space<vmem>>, vector<1x16xf32>,
        %get3A_65 = vector.shape_cast %get3A_64 : vector<1x16xf32> to vector<16xf32>
        %mul3A_66 = arith.mulf %get3A_45, %get3A_65 : vector<16xf32>
        %add3A_67 = arith.addf %add3A_61, %mul3A_66 : vector<16xf32>
        %swap3A = arith.index_cast %scan3A_34 : i32 to index
        %swap3A_68 = arith.constant 0 : index
        %swap3A_69 = tpu.vector_load %arg17[%swap3A, %swap3A_68] {strides = array<i32>} : memref<112x128xf32, #tpu.memory_space<vmem>>, vector<1x16xf32>,
        %swap3A_70 = vector.shape_cast %swap3A_69 : vector<1x16xf32> to vector<16xf32>
        %swap3A_71 = vector.shape_cast %add3A_67 : vector<16xf32> to vector<1x16xf32>
        tpu.vector_store %arg17[%swap3A, %swap3A_68], %swap3A_71 {strides = array<i32>} : memref<112x128xf32, #tpu.memory_space<vmem>>, vector<1x16xf32>,
        %get3A_72 = arith.index_cast %scan3A_34 : i32 to index
        %get3A_73 = arith.constant 16 : index
        %get3A_74 = tpu.vector_load %arg16[%get3A_72, %get3A_73] {strides = array<i32>} : memref<112x128xf32, #tpu.memory_space<vmem>>, vector<1x16xf32>,
        %get3A_75 = vector.shape_cast %get3A_74 : vector<1x16xf32> to vector<16xf32>
        %get3A_76 = arith.index_cast %scan3A_34 : i32 to index
        %get3A_77 = arith.constant 16 : index
        %get3A_78 = tpu.vector_load %arg13[%get3A_76, %get3A_77] {strides = array<i32>} : memref<112x128xf32, #tpu.memory_space<vmem>>, vector<1x16xf32>,
        %get3A_79 = vector.shape_cast %get3A_78 : vector<1x16xf32> to vector<16xf32>
        %mul3A_80 = arith.mulf %get3A_37, %get3A_79 : vector<16xf32>
        %add3A_81 = arith.addf %get3A_75, %mul3A_80 : vector<16xf32>
        %get3A_82 = arith.index_cast %scan3A_34 : i32 to index
        %get3A_83 = arith.constant 16 : index
        %get3A_84 = tpu.vector_load %arg14[%get3A_82, %get3A_83] {strides = array<i32>} : memref<112x128xf32, #tpu.memory_space<vmem>>, vector<1x16xf32>,
        %get3A_85 = vector.shape_cast %get3A_84 : vector<1x16xf32> to vector<16xf32>
        %mul3A_86 = arith.mulf %get3A_41, %get3A_85 : vector<16xf32>
        %add3A_87 = arith.addf %add3A_81, %mul3A_86 : vector<16xf32>
        %get3A_88 = arith.index_cast %scan3A_34 : i32 to index
        %get3A_89 = arith.constant 16 : index
        %get3A_90 = tpu.vector_load %arg15[%get3A_88, %get3A_89] {strides = array<i32>} : memref<112x128xf32, #tpu.memory_space<vmem>>, vector<1x16xf32>,
        %get3A_91 = vector.shape_cast %get3A_90 : vector<1x16xf32> to vector<16xf32>
        %mul3A_92 = arith.mulf %get3A_45, %get3A_91 : vector<16xf32>
        %add3A_93 = arith.addf %add3A_87, %mul3A_92 : vector<16xf32>
        %swap3A_94 = arith.index_cast %scan3A_34 : i32 to index
        %swap3A_95 = arith.constant 16 : index
        %swap3A_96 = tpu.vector_load %arg17[%swap3A_94, %swap3A_95] {strides = array<i32>} : memref<112x128xf32, #tpu.memory_space<vmem>>, vector<1x16xf32>,
        %swap3A_97 = vector.shape_cast %swap3A_96 : vector<1x16xf32> to vector<16xf32>
        %swap3A_98 = vector.shape_cast %add3A_93 : vector<16xf32> to vector<1x16xf32>
        tpu.vector_store %arg17[%swap3A_94, %swap3A_95], %swap3A_98 {strides = array<i32>} : memref<112x128xf32, #tpu.memory_space<vmem>>, vector<1x16xf32>,
        %get3A_99 = arith.index_cast %scan3A_34 : i32 to index
        %get3A_100 = arith.constant 32 : index
        %get3A_101 = tpu.vector_load %arg16[%get3A_99, %get3A_100] {strides = array<i32>} : memref<112x128xf32, #tpu.memory_space<vmem>>, vector<1x16xf32>,
        %get3A_102 = vector.shape_cast %get3A_101 : vector<1x16xf32> to vector<16xf32>
        %get3A_103 = arith.index_cast %scan3A_34 : i32 to index
        %get3A_104 = arith.constant 32 : index
        %get3A_105 = tpu.vector_load %arg13[%get3A_103, %get3A_104] {strides = array<i32>} : memref<112x128xf32, #tpu.memory_space<vmem>>, vector<1x16xf32>,
        %get3A_106 = vector.shape_cast %get3A_105 : vector<1x16xf32> to vector<16xf32>
        %mul3A_107 = arith.mulf %get3A_37, %get3A_106 : vector<16xf32>
        %add3A_108 = arith.addf %get3A_102, %mul3A_107 : vector<16xf32>
        %get3A_109 = arith.index_cast %scan3A_34 : i32 to index
        %get3A_110 = arith.constant 32 : index
        %get3A_111 = tpu.vector_load %arg14[%get3A_109, %get3A_110] {strides = array<i32>} : memref<112x128xf32, #tpu.memory_space<vmem>>, vector<1x16xf32>,
        %get3A_112 = vector.shape_cast %get3A_111 : vector<1x16xf32> to vector<16xf32>
        %mul3A_113 = arith.mulf %get3A_41, %get3A_112 : vector<16xf32>
        %add3A_114 = arith.addf %add3A_108, %mul3A_113 : vector<16xf32>
        %get3A_115 = arith.index_cast %scan3A_34 : i32 to index
        %get3A_116 = arith.constant 32 : index
        %get3A_117 = tpu.vector_load %arg15[%get3A_115, %get3A_116] {strides = array<i32>} : memref<112x128xf32, #tpu.memory_space<vmem>>, vector<1x16xf32>,
        %get3A_118 = vector.shape_cast %get3A_117 : vector<1x16xf32> to vector<16xf32>
        %mul3A_119 = arith.mulf %get3A_45, %get3A_118 : vector<16xf32>
        %add3A_120 = arith.addf %add3A_114, %mul3A_119 : vector<16xf32>
        %swap3A_121 = arith.index_cast %scan3A_34 : i32 to index
        %swap3A_122 = arith.constant 32 : index
        %swap3A_123 = tpu.vector_load %arg17[%swap3A_121, %swap3A_122] {strides = array<i32>} : memref<112x128xf32, #tpu.memory_space<vmem>>, vector<1x16xf32>,
        %swap3A_124 = vector.shape_cast %swap3A_123 : vector<1x16xf32> to vector<16xf32>
        %swap3A_125 = vector.shape_cast %add3A_120 : vector<16xf32> to vector<1x16xf32>
        tpu.vector_store %arg17[%swap3A_121, %swap3A_122], %swap3A_125 {strides = array<i32>} : memref<112x128xf32, #tpu.memory_space<vmem>>, vector<1x16xf32>,
        %get3A_126 = arith.index_cast %scan3A_34 : i32 to index
        %get3A_127 = arith.constant 48 : index
        %get3A_128 = tpu.vector_load %arg16[%get3A_126, %get3A_127] {strides = array<i32>} : memref<112x128xf32, #tpu.memory_space<vmem>>, vector<1x16xf32>,
        %get3A_129 = vector.shape_cast %get3A_128 : vector<1x16xf32> to vector<16xf32>
        %get3A_130 = arith.index_cast %scan3A_34 : i32 to index
        %get3A_131 = arith.constant 48 : index
        %get3A_132 = tpu.vector_load %arg13[%get3A_130, %get3A_131] {strides = array<i32>} : memref<112x128xf32, #tpu.memory_space<vmem>>, vector<1x16xf32>,
        %get3A_133 = vector.shape_cast %get3A_132 : vector<1x16xf32> to vector<16xf32>
        %mul3A_134 = arith.mulf %get3A_37, %get3A_133 : vector<16xf32>
        %add3A_135 = arith.addf %get3A_129, %mul3A_134 : vector<16xf32>
        %get3A_136 = arith.index_cast %scan3A_34 : i32 to index
        %get3A_137 = arith.constant 48 : index
        %get3A_138 = tpu.vector_load %arg14[%get3A_136, %get3A_137] {strides = array<i32>} : memref<112x128xf32, #tpu.memory_space<vmem>>, vector<1x16xf32>,
        %get3A_139 = vector.shape_cast %get3A_138 : vector<1x16xf32> to vector<16xf32>
        %mul3A_140 = arith.mulf %get3A_41, %get3A_139 : vector<16xf32>
        %add3A_141 = arith.addf %add3A_135, %mul3A_140 : vector<16xf32>
        %get3A_142 = arith.index_cast %scan3A_34 : i32 to index
        %get3A_143 = arith.constant 48 : index
        %get3A_144 = tpu.vector_load %arg15[%get3A_142, %get3A_143] {strides = array<i32>} : memref<112x128xf32, #tpu.memory_space<vmem>>, vector<1x16xf32>,
        %get3A_145 = vector.shape_cast %get3A_144 : vector<1x16xf32> to vector<16xf32>
        %mul3A_146 = arith.mulf %get3A_45, %get3A_145 : vector<16xf32>
        %add3A_147 = arith.addf %add3A_141, %mul3A_146 : vector<16xf32>
        %swap3A_148 = arith.index_cast %scan3A_34 : i32 to index
        %swap3A_149 = arith.constant 48 : index
        %swap3A_150 = tpu.vector_load %arg17[%swap3A_148, %swap3A_149] {strides = array<i32>} : memref<112x128xf32, #tpu.memory_space<vmem>>, vector<1x16xf32>,
        %swap3A_151 = vector.shape_cast %swap3A_150 : vector<1x16xf32> to vector<16xf32>
        %swap3A_152 = vector.shape_cast %add3A_147 : vector<16xf32> to vector<1x16xf32>
        tpu.vector_store %arg17[%swap3A_148, %swap3A_149], %swap3A_152 {strides = array<i32>} : memref<112x128xf32, #tpu.memory_space<vmem>>, vector<1x16xf32>,
        %get3A_153 = arith.index_cast %scan3A_34 : i32 to index
        %get3A_154 = arith.constant 64 : index
        %get3A_155 = tpu.vector_load %arg16[%get3A_153, %get3A_154] {strides = array<i32>} : memref<112x128xf32, #tpu.memory_space<vmem>>, vector<1x16xf32>,
        %get3A_156 = vector.shape_cast %get3A_155 : vector<1x16xf32> to vector<16xf32>
        %get3A_157 = arith.index_cast %scan3A_34 : i32 to index
        %get3A_158 = arith.constant 64 : index
        %get3A_159 = tpu.vector_load %arg13[%get3A_157, %get3A_158] {strides = array<i32>} : memref<112x128xf32, #tpu.memory_space<vmem>>, vector<1x16xf32>,
        %get3A_160 = vector.shape_cast %get3A_159 : vector<1x16xf32> to vector<16xf32>
        %mul3A_161 = arith.mulf %get3A_37, %get3A_160 : vector<16xf32>
        %add3A_162 = arith.addf %get3A_156, %mul3A_161 : vector<16xf32>
        %get3A_163 = arith.index_cast %scan3A_34 : i32 to index
        %get3A_164 = arith.constant 64 : index
        %get3A_165 = tpu.vector_load %arg14[%get3A_163, %get3A_164] {strides = array<i32>} : memref<112x128xf32, #tpu.memory_space<vmem>>, vector<1x16xf32>,
        %get3A_166 = vector.shape_cast %get3A_165 : vector<1x16xf32> to vector<16xf32>
        %mul3A_167 = arith.mulf %get3A_41, %get3A_166 : vector<16xf32>
        %add3A_168 = arith.addf %add3A_162, %mul3A_167 : vector<16xf32>
        %get3A_169 = arith.index_cast %scan3A_34 : i32 to index
        %get3A_170 = arith.constant 64 : index
        %get3A_171 = tpu.vector_load %arg15[%get3A_169, %get3A_170] {strides = array<i32>} : memref<112x128xf32, #tpu.memory_space<vmem>>, vector<1x16xf32>,
        %get3A_172 = vector.shape_cast %get3A_171 : vector<1x16xf32> to vector<16xf32>
        %mul3A_173 = arith.mulf %get3A_45, %get3A_172 : vector<16xf32>
        %add3A_174 = arith.addf %add3A_168, %mul3A_173 : vector<16xf32>
        %swap3A_175 = arith.index_cast %scan3A_34 : i32 to index
        %swap3A_176 = arith.constant 64 : index
        %swap3A_177 = tpu.vector_load %arg17[%swap3A_175, %swap3A_176] {strides = array<i32>} : memref<112x128xf32, #tpu.memory_space<vmem>>, vector<1x16xf32>,
        %swap3A_178 = vector.shape_cast %swap3A_177 : vector<1x16xf32> to vector<16xf32>
        %swap3A_179 = vector.shape_cast %add3A_174 : vector<16xf32> to vector<1x16xf32>
        tpu.vector_store %arg17[%swap3A_175, %swap3A_176], %swap3A_179 {strides = array<i32>} : memref<112x128xf32, #tpu.memory_space<vmem>>, vector<1x16xf32>,
        %get3A_180 = arith.index_cast %scan3A_34 : i32 to index
        %get3A_181 = arith.constant 80 : index
        %get3A_182 = tpu.vector_load %arg16[%get3A_180, %get3A_181] {strides = array<i32>} : memref<112x128xf32, #tpu.memory_space<vmem>>, vector<1x16xf32>,
        %get3A_183 = vector.shape_cast %get3A_182 : vector<1x16xf32> to vector<16xf32>
        %get3A_184 = arith.index_cast %scan3A_34 : i32 to index
        %get3A_185 = arith.constant 80 : index
        %get3A_186 = tpu.vector_load %arg13[%get3A_184, %get3A_185] {strides = array<i32>} : memref<112x128xf32, #tpu.memory_space<vmem>>, vector<1x16xf32>,
        %get3A_187 = vector.shape_cast %get3A_186 : vector<1x16xf32> to vector<16xf32>
        %mul3A_188 = arith.mulf %get3A_37, %get3A_187 : vector<16xf32>
        %add3A_189 = arith.addf %get3A_183, %mul3A_188 : vector<16xf32>
        %get3A_190 = arith.index_cast %scan3A_34 : i32 to index
        %get3A_191 = arith.constant 80 : index
        %get3A_192 = tpu.vector_load %arg14[%get3A_190, %get3A_191] {strides = array<i32>} : memref<112x128xf32, #tpu.memory_space<vmem>>, vector<1x16xf32>,
        %get3A_193 = vector.shape_cast %get3A_192 : vector<1x16xf32> to vector<16xf32>
        %mul3A_194 = arith.mulf %get3A_41, %get3A_193 : vector<16xf32>
        %add3A_195 = arith.addf %add3A_189, %mul3A_194 : vector<16xf32>
        %get3A_196 = arith.index_cast %scan3A_34 : i32 to index
        %get3A_197 = arith.constant 80 : index
        %get3A_198 = tpu.vector_load %arg15[%get3A_196, %get3A_197] {strides = array<i32>} : memref<112x128xf32, #tpu.memory_space<vmem>>, vector<1x16xf32>,
        %get3A_199 = vector.shape_cast %get3A_198 : vector<1x16xf32> to vector<16xf32>
        %mul3A_200 = arith.mulf %get3A_45, %get3A_199 : vector<16xf32>
        %add3A_201 = arith.addf %add3A_195, %mul3A_200 : vector<16xf32>
        %swap3A_202 = arith.index_cast %scan3A_34 : i32 to index
        %swap3A_203 = arith.constant 80 : index
        %swap3A_204 = tpu.vector_load %arg17[%swap3A_202, %swap3A_203] {strides = array<i32>} : memref<112x128xf32, #tpu.memory_space<vmem>>, vector<1x16xf32>,
        %swap3A_205 = vector.shape_cast %swap3A_204 : vector<1x16xf32> to vector<16xf32>
        %swap3A_206 = vector.shape_cast %add3A_201 : vector<16xf32> to vector<1x16xf32>
        tpu.vector_store %arg17[%swap3A_202, %swap3A_203], %swap3A_206 {strides = array<i32>} : memref<112x128xf32, #tpu.memory_space<vmem>>, vector<1x16xf32>,
        %get3A_207 = arith.index_cast %scan3A_34 : i32 to index
        %get3A_208 = arith.constant 96 : index
        %get3A_209 = tpu.vector_load %arg16[%get3A_207, %get3A_208] {strides = array<i32>} : memref<112x128xf32, #tpu.memory_space<vmem>>, vector<1x16xf32>,
        %get3A_210 = vector.shape_cast %get3A_209 : vector<1x16xf32> to vector<16xf32>
        %get3A_211 = arith.index_cast %scan3A_34 : i32 to index
        %get3A_212 = arith.constant 96 : index
        %get3A_213 = tpu.vector_load %arg13[%get3A_211, %get3A_212] {strides = array<i32>} : memref<112x128xf32, #tpu.memory_space<vmem>>, vector<1x16xf32>,
        %get3A_214 = vector.shape_cast %get3A_213 : vector<1x16xf32> to vector<16xf32>
        %mul3A_215 = arith.mulf %get3A_37, %get3A_214 : vector<16xf32>
        %add3A_216 = arith.addf %get3A_210, %mul3A_215 : vector<16xf32>
        %get3A_217 = arith.index_cast %scan3A_34 : i32 to index
        %get3A_218 = arith.constant 96 : index
        %get3A_219 = tpu.vector_load %arg14[%get3A_217, %get3A_218] {strides = array<i32>} : memref<112x128xf32, #tpu.memory_space<vmem>>, vector<1x16xf32>,
        %get3A_220 = vector.shape_cast %get3A_219 : vector<1x16xf32> to vector<16xf32>
        %mul3A_221 = arith.mulf %get3A_41, %get3A_220 : vector<16xf32>
        %add3A_222 = arith.addf %add3A_216, %mul3A_221 : vector<16xf32>
        %get3A_223 = arith.index_cast %scan3A_34 : i32 to index
        %get3A_224 = arith.constant 96 : index
        %get3A_225 = tpu.vector_load %arg15[%get3A_223, %get3A_224] {strides = array<i32>} : memref<112x128xf32, #tpu.memory_space<vmem>>, vector<1x16xf32>,
        %get3A_226 = vector.shape_cast %get3A_225 : vector<1x16xf32> to vector<16xf32>
        %mul3A_227 = arith.mulf %get3A_45, %get3A_226 : vector<16xf32>
        %add3A_228 = arith.addf %add3A_222, %mul3A_227 : vector<16xf32>
        %swap3A_229 = arith.index_cast %scan3A_34 : i32 to index
        %swap3A_230 = arith.constant 96 : index
        %swap3A_231 = tpu.vector_load %arg17[%swap3A_229, %swap3A_230] {strides = array<i32>} : memref<112x128xf32, #tpu.memory_space<vmem>>, vector<1x16xf32>,
        %swap3A_232 = vector.shape_cast %swap3A_231 : vector<1x16xf32> to vector<16xf32>
        %swap3A_233 = vector.shape_cast %add3A_228 : vector<16xf32> to vector<1x16xf32>
        tpu.vector_store %arg17[%swap3A_229, %swap3A_230], %swap3A_233 {strides = array<i32>} : memref<112x128xf32, #tpu.memory_space<vmem>>, vector<1x16xf32>,
        %get3A_234 = arith.index_cast %scan3A_34 : i32 to index
        %get3A_235 = arith.constant 112 : index
        %get3A_236 = tpu.vector_load %arg16[%get3A_234, %get3A_235] {strides = array<i32>} : memref<112x128xf32, #tpu.memory_space<vmem>>, vector<1x16xf32>,
        %get3A_237 = vector.shape_cast %get3A_236 : vector<1x16xf32> to vector<16xf32>
        %get3A_238 = arith.index_cast %scan3A_34 : i32 to index
        %get3A_239 = arith.constant 112 : index
        %get3A_240 = tpu.vector_load %arg13[%get3A_238, %get3A_239] {strides = array<i32>} : memref<112x128xf32, #tpu.memory_space<vmem>>, vector<1x16xf32>,
        %get3A_241 = vector.shape_cast %get3A_240 : vector<1x16xf32> to vector<16xf32>
        %mul3A_242 = arith.mulf %get3A_37, %get3A_241 : vector<16xf32>
        %add3A_243 = arith.addf %get3A_237, %mul3A_242 : vector<16xf32>
        %get3A_244 = arith.index_cast %scan3A_34 : i32 to index
        %get3A_245 = arith.constant 112 : index
        %get3A_246 = tpu.vector_load %arg14[%get3A_244, %get3A_245] {strides = array<i32>} : memref<112x128xf32, #tpu.memory_space<vmem>>, vector<1x16xf32>,
        %get3A_247 = vector.shape_cast %get3A_246 : vector<1x16xf32> to vector<16xf32>
        %mul3A_248 = arith.mulf %get3A_41, %get3A_247 : vector<16xf32>
        %add3A_249 = arith.addf %add3A_243, %mul3A_248 : vector<16xf32>
        %get3A_250 = arith.index_cast %scan3A_34 : i32 to index
        %get3A_251 = arith.constant 112 : index
        %get3A_252 = tpu.vector_load %arg15[%get3A_250, %get3A_251] {strides = array<i32>} : memref<112x128xf32, #tpu.memory_space<vmem>>, vector<1x16xf32>,
        %get3A_253 = vector.shape_cast %get3A_252 : vector<1x16xf32> to vector<16xf32>
        %mul3A_254 = arith.mulf %get3A_45, %get3A_253 : vector<16xf32>
        %add3A_255 = arith.addf %add3A_249, %mul3A_254 : vector<16xf32>
        %swap3A_256 = arith.index_cast %scan3A_34 : i32 to index
        %swap3A_257 = arith.constant 112 : index
        %swap3A_258 = tpu.vector_load %arg17[%swap3A_256, %swap3A_257] {strides = array<i32>} : memref<112x128xf32, #tpu.memory_space<vmem>>, vector<1x16xf32>,
        %swap3A_259 = vector.shape_cast %swap3A_258 : vector<1x16xf32> to vector<16xf32>
        %swap3A_260 = vector.shape_cast %add3A_255 : vector<16xf32> to vector<1x16xf32>
        tpu.vector_store %arg17[%swap3A_256, %swap3A_257], %swap3A_260 {strides = array<i32>} : memref<112x128xf32, #tpu.memory_space<vmem>>, vector<1x16xf32>,
      }
      %scan3A_33 = arith.constant 112 : i32
      "tpu.region"() ({
        %run_scoped3A = tpu.sem_alloc : memref<!tpu.dma_semaphore, #tpu.memory_space<semaphore_mem>>
        %dma_start3A_34 = arith.constant 0 : i32
        %dma_start3A_35 = tpu.memref_slice %arg8[%add3A_11, %dma_start3A_34] : memref<50176x128xf32, #tpu.memory_space<hbm>> -> memref<112x128xf32, #tpu.memory_space<hbm>>
        %dma_start3A_36 = arith.constant 0 : i32
        %dma_start3A_37 = tpu.memref_slice %arg8[%add3A_11, %dma_start3A_36] : memref<50176x128xf32, #tpu.memory_space<hbm>> -> memref<112x128xf32, #tpu.memory_space<hbm>>
        tpu.enqueue_dma source(%arg17 : memref<112x128xf32, #tpu.memory_space<vmem>>) target(%dma_start3A_37 : memref<112x128xf32, #tpu.memory_space<hbm>>) target_semaphore(%run_scoped3A : memref<!tpu.dma_semaphore, #tpu.memory_space<semaphore_mem>>)
        %dma_wait3A_38 = arith.constant 0 : i32
        %dma_wait3A_39 = tpu.memref_slice %arg8[%add3A_11, %dma_wait3A_38] : memref<50176x128xf32, #tpu.memory_space<hbm>> -> memref<112x128xf32, #tpu.memory_space<hbm>>
        %dma_wait3A_40 = arith.constant 0 : i32
        %dma_wait3A_41 = tpu.memref_slice %arg8[%add3A_11, %dma_wait3A_40] : memref<50176x128xf32, #tpu.memory_space<hbm>> -> memref<112x128xf32, #tpu.memory_space<hbm>>
        tpu.wait_dma2 semaphore(%run_scoped3A : memref<!tpu.dma_semaphore, #tpu.memory_space<semaphore_mem>>) src(%arg17 : memref<112x128xf32, #tpu.memory_space<vmem>>) dst(%dma_wait3A_41 : memref<112x128xf32, #tpu.memory_space<hbm>>)
        tpu.yield
      }) : () -> ()
    }
    %scan3A_7 = arith.constant 14 : i32
    return
  }
}

#map = affine_map<(d0, d1) -> (0, 0)>
#map1 = affine_map<(d0, d1) -> (0)>
module attributes {stable_mosaic.version = 14 : i64} {
  func.func @_sc_body(%arg0: i32, %arg1: i32, %arg2: memref<25000x128xf32, #tpu.memory_space<hbm>>, %arg3: memref<50176x128xf32, #tpu.memory_space<hbm>>, %arg4: memref<50176xi32, #tpu.memory_space<hbm>>, %arg5: memref<50176xi32, #tpu.memory_space<hbm>>, %arg6: memref<50176xi32, #tpu.memory_space<hbm>>, %arg7: memref<50176x48xf32, #tpu.memory_space<hbm>>, %arg8: memref<50176x128xf32, #tpu.memory_space<hbm>>, %arg9: memref<112xi32, #tpu.memory_space<vmem>>, %arg10: memref<112xi32, #tpu.memory_space<vmem>>, %arg11: memref<112xi32, #tpu.memory_space<vmem>>, %arg12: memref<112x48xf32, #tpu.memory_space<vmem>>, %arg13: memref<112x128xf32, #tpu.memory_space<vmem>>, %arg14: memref<112x128xf32, #tpu.memory_space<vmem>>, %arg15: memref<112x128xf32, #tpu.memory_space<vmem>>, %arg16: memref<112x128xf32, #tpu.memory_space<vmem>>, %arg17: memref<112x128xf32, #tpu.memory_space<vmem>>, %arg18: memref<!tpu.dma_semaphore, #tpu.memory_space<semaphore_mem>>) attributes {dimension_semantics = [#tpu.dimension_semantics<core_parallel>, #tpu.dimension_semantics<subcore_parallel>], iteration_bounds = array<i64: 2, 16>, scalar_prefetch = 0 : i64, scratch_operands = 10 : i64, tpu.core_type = #tpu.core_type<sc_vector_subcore>, window_params = [{transform_indices = #map}, {transform_indices = #map}, {transform_indices = #map1}, {transform_indices = #map1}, {transform_indices = #map1}, {transform_indices = #map}, {transform_indices = #map}]} {
    %mul3A = arith.constant 2 : i32
    %mul3A_0 = arith.muli %arg1, %mul3A : i32
    %add3A = arith.addi %mul3A_0, %arg0 : i32
    %mul3A_1 = arith.constant 1568 : i32
    %mul3A_2 = arith.muli %add3A, %mul3A_1 : i32
    %scan3A = arith.constant 0 : i32
    %scan3A_3 = arith.constant 0 : i32
    %scan3A_4 = arith.constant 14 : i32
    %scan3A_5 = arith.addi %scan3A_3, %scan3A_4 : i32
    %scan3A_6 = arith.constant 1 : i32
    scf.for %scan3A_8 = %scan3A_3 to %scan3A_5 step %scan3A_6  : i32 {
      %mul3A_9 = arith.constant 112 : i32
      %mul3A_10 = arith.muli %scan3A_8, %mul3A_9 : i32
      %add3A_11 = arith.addi %mul3A_2, %mul3A_10 : i32
      "tpu.region"() ({
        %run_scoped3A = tpu.sem_alloc : memref<!tpu.dma_semaphore, #tpu.memory_space<semaphore_mem>>
        %dma_start3A_34 = tpu.memref_slice %arg4[%add3A_11] : memref<50176xi32, #tpu.memory_space<hbm>> -> memref<112xi32, #tpu.memory_space<hbm>>
        %dma_start3A_35 = tpu.memref_slice %arg4[%add3A_11] : memref<50176xi32, #tpu.memory_space<hbm>> -> memref<112xi32, #tpu.memory_space<hbm>>
        tpu.enqueue_dma source(%dma_start3A_35 : memref<112xi32, #tpu.memory_space<hbm>>) target(%arg9 : memref<112xi32, #tpu.memory_space<vmem>>) target_semaphore(%run_scoped3A : memref<!tpu.dma_semaphore, #tpu.memory_space<semaphore_mem>>)
        %dma_wait3A_36 = tpu.memref_slice %arg4[%add3A_11] : memref<50176xi32, #tpu.memory_space<hbm>> -> memref<112xi32, #tpu.memory_space<hbm>>
        %dma_wait3A_37 = tpu.memref_slice %arg4[%add3A_11] : memref<50176xi32, #tpu.memory_space<hbm>> -> memref<112xi32, #tpu.memory_space<hbm>>
        tpu.wait_dma2 semaphore(%run_scoped3A : memref<!tpu.dma_semaphore, #tpu.memory_space<semaphore_mem>>) src(%dma_wait3A_37 : memref<112xi32, #tpu.memory_space<hbm>>) dst(%arg9 : memref<112xi32, #tpu.memory_space<vmem>>)
        tpu.yield
      }) : () -> ()
      "tpu.region"() ({
        %run_scoped3A = tpu.sem_alloc : memref<!tpu.dma_semaphore, #tpu.memory_space<semaphore_mem>>
        %dma_start3A_34 = tpu.memref_slice %arg5[%add3A_11] : memref<50176xi32, #tpu.memory_space<hbm>> -> memref<112xi32, #tpu.memory_space<hbm>>
        %dma_start3A_35 = tpu.memref_slice %arg5[%add3A_11] : memref<50176xi32, #tpu.memory_space<hbm>> -> memref<112xi32, #tpu.memory_space<hbm>>
        tpu.enqueue_dma source(%dma_start3A_35 : memref<112xi32, #tpu.memory_space<hbm>>) target(%arg10 : memref<112xi32, #tpu.memory_space<vmem>>) target_semaphore(%run_scoped3A : memref<!tpu.dma_semaphore, #tpu.memory_space<semaphore_mem>>)
        %dma_wait3A_36 = tpu.memref_slice %arg5[%add3A_11] : memref<50176xi32, #tpu.memory_space<hbm>> -> memref<112xi32, #tpu.memory_space<hbm>>
        %dma_wait3A_37 = tpu.memref_slice %arg5[%add3A_11] : memref<50176xi32, #tpu.memory_space<hbm>> -> memref<112xi32, #tpu.memory_space<hbm>>
        tpu.wait_dma2 semaphore(%run_scoped3A : memref<!tpu.dma_semaphore, #tpu.memory_space<semaphore_mem>>) src(%dma_wait3A_37 : memref<112xi32, #tpu.memory_space<hbm>>) dst(%arg10 : memref<112xi32, #tpu.memory_space<vmem>>)
        tpu.yield
      }) : () -> ()
      "tpu.region"() ({
        %run_scoped3A = tpu.sem_alloc : memref<!tpu.dma_semaphore, #tpu.memory_space<semaphore_mem>>
        %dma_start3A_34 = tpu.memref_slice %arg6[%add3A_11] : memref<50176xi32, #tpu.memory_space<hbm>> -> memref<112xi32, #tpu.memory_space<hbm>>
        %dma_start3A_35 = tpu.memref_slice %arg6[%add3A_11] : memref<50176xi32, #tpu.memory_space<hbm>> -> memref<112xi32, #tpu.memory_space<hbm>>
        tpu.enqueue_dma source(%dma_start3A_35 : memref<112xi32, #tpu.memory_space<hbm>>) target(%arg11 : memref<112xi32, #tpu.memory_space<vmem>>) target_semaphore(%run_scoped3A : memref<!tpu.dma_semaphore, #tpu.memory_space<semaphore_mem>>)
        %dma_wait3A_36 = tpu.memref_slice %arg6[%add3A_11] : memref<50176xi32, #tpu.memory_space<hbm>> -> memref<112xi32, #tpu.memory_space<hbm>>
        %dma_wait3A_37 = tpu.memref_slice %arg6[%add3A_11] : memref<50176xi32, #tpu.memory_space<hbm>> -> memref<112xi32, #tpu.memory_space<hbm>>
        tpu.wait_dma2 semaphore(%run_scoped3A : memref<!tpu.dma_semaphore, #tpu.memory_space<semaphore_mem>>) src(%dma_wait3A_37 : memref<112xi32, #tpu.memory_space<hbm>>) dst(%arg11 : memref<112xi32, #tpu.memory_space<vmem>>)
        tpu.yield
      }) : () -> ()
      %dma_start3A = arith.constant 0 : i32
      %dma_start3A_12 = arith.constant 0 : i32
      %dma_start3A_13 = tpu.memref_slice %arg2[%dma_start3A, %dma_start3A_12] : memref<25000x128xf32, #tpu.memory_space<hbm>> -> memref<25000x128xf32, #tpu.memory_space<hbm>>
      tpu.enqueue_indirect_dma source(%dma_start3A_13 : memref<25000x128xf32, #tpu.memory_space<hbm>>) target(%arg13 : memref<112x128xf32, #tpu.memory_space<vmem>>) offsets(%arg9 : memref<112xi32, #tpu.memory_space<vmem>>) semaphore(%arg18 : memref<!tpu.dma_semaphore, #tpu.memory_space<semaphore_mem>>)
      %dma_start3A_14 = arith.constant 0 : i32
      %dma_start3A_15 = arith.constant 0 : i32
      %dma_start3A_16 = tpu.memref_slice %arg2[%dma_start3A_14, %dma_start3A_15] : memref<25000x128xf32, #tpu.memory_space<hbm>> -> memref<25000x128xf32, #tpu.memory_space<hbm>>
      tpu.enqueue_indirect_dma source(%dma_start3A_16 : memref<25000x128xf32, #tpu.memory_space<hbm>>) target(%arg14 : memref<112x128xf32, #tpu.memory_space<vmem>>) offsets(%arg10 : memref<112xi32, #tpu.memory_space<vmem>>) semaphore(%arg18 : memref<!tpu.dma_semaphore, #tpu.memory_space<semaphore_mem>>)
      %dma_start3A_17 = arith.constant 0 : i32
      %dma_start3A_18 = arith.constant 0 : i32
      %dma_start3A_19 = tpu.memref_slice %arg2[%dma_start3A_17, %dma_start3A_18] : memref<25000x128xf32, #tpu.memory_space<hbm>> -> memref<25000x128xf32, #tpu.memory_space<hbm>>
      tpu.enqueue_indirect_dma source(%dma_start3A_19 : memref<25000x128xf32, #tpu.memory_space<hbm>>) target(%arg15 : memref<112x128xf32, #tpu.memory_space<vmem>>) offsets(%arg11 : memref<112xi32, #tpu.memory_space<vmem>>) semaphore(%arg18 : memref<!tpu.dma_semaphore, #tpu.memory_space<semaphore_mem>>)
      "tpu.region"() ({
        %run_scoped3A = tpu.sem_alloc : memref<!tpu.dma_semaphore, #tpu.memory_space<semaphore_mem>>
        %dma_start3A_34 = arith.constant 0 : i32
        %dma_start3A_35 = tpu.memref_slice %arg7[%add3A_11, %dma_start3A_34] : memref<50176x48xf32, #tpu.memory_space<hbm>> -> memref<112x48xf32, #tpu.memory_space<hbm>>
        %dma_start3A_36 = arith.constant 0 : i32
        %dma_start3A_37 = tpu.memref_slice %arg7[%add3A_11, %dma_start3A_36] : memref<50176x48xf32, #tpu.memory_space<hbm>> -> memref<112x48xf32, #tpu.memory_space<hbm>>
        tpu.enqueue_dma source(%dma_start3A_37 : memref<112x48xf32, #tpu.memory_space<hbm>>) target(%arg12 : memref<112x48xf32, #tpu.memory_space<vmem>>) target_semaphore(%run_scoped3A : memref<!tpu.dma_semaphore, #tpu.memory_space<semaphore_mem>>)
        %dma_wait3A_38 = arith.constant 0 : i32
        %dma_wait3A_39 = tpu.memref_slice %arg7[%add3A_11, %dma_wait3A_38] : memref<50176x48xf32, #tpu.memory_space<hbm>> -> memref<112x48xf32, #tpu.memory_space<hbm>>
        %dma_wait3A_40 = arith.constant 0 : i32
        %dma_wait3A_41 = tpu.memref_slice %arg7[%add3A_11, %dma_wait3A_40] : memref<50176x48xf32, #tpu.memory_space<hbm>> -> memref<112x48xf32, #tpu.memory_space<hbm>>
        tpu.wait_dma2 semaphore(%run_scoped3A : memref<!tpu.dma_semaphore, #tpu.memory_space<semaphore_mem>>) src(%dma_wait3A_41 : memref<112x48xf32, #tpu.memory_space<hbm>>) dst(%arg12 : memref<112x48xf32, #tpu.memory_space<vmem>>)
        tpu.yield
      }) : () -> ()
      "tpu.region"() ({
        %run_scoped3A = tpu.sem_alloc : memref<!tpu.dma_semaphore, #tpu.memory_space<semaphore_mem>>
        %dma_start3A_34 = arith.constant 0 : i32
        %dma_start3A_35 = tpu.memref_slice %arg3[%add3A_11, %dma_start3A_34] : memref<50176x128xf32, #tpu.memory_space<hbm>> -> memref<112x128xf32, #tpu.memory_space<hbm>>
        %dma_start3A_36 = arith.constant 0 : i32
        %dma_start3A_37 = tpu.memref_slice %arg3[%add3A_11, %dma_start3A_36] : memref<50176x128xf32, #tpu.memory_space<hbm>> -> memref<112x128xf32, #tpu.memory_space<hbm>>
        tpu.enqueue_dma source(%dma_start3A_37 : memref<112x128xf32, #tpu.memory_space<hbm>>) target(%arg16 : memref<112x128xf32, #tpu.memory_space<vmem>>) target_semaphore(%run_scoped3A : memref<!tpu.dma_semaphore, #tpu.memory_space<semaphore_mem>>)
        %dma_wait3A_38 = arith.constant 0 : i32
        %dma_wait3A_39 = tpu.memref_slice %arg3[%add3A_11, %dma_wait3A_38] : memref<50176x128xf32, #tpu.memory_space<hbm>> -> memref<112x128xf32, #tpu.memory_space<hbm>>
        %dma_wait3A_40 = arith.constant 0 : i32
        %dma_wait3A_41 = tpu.memref_slice %arg3[%add3A_11, %dma_wait3A_40] : memref<50176x128xf32, #tpu.memory_space<hbm>> -> memref<112x128xf32, #tpu.memory_space<hbm>>
        tpu.wait_dma2 semaphore(%run_scoped3A : memref<!tpu.dma_semaphore, #tpu.memory_space<semaphore_mem>>) src(%dma_wait3A_41 : memref<112x128xf32, #tpu.memory_space<hbm>>) dst(%arg16 : memref<112x128xf32, #tpu.memory_space<vmem>>)
        tpu.yield
      }) : () -> ()
      %dma_wait3A = arith.constant 0 : i32
      %dma_wait3A_20 = arith.constant 0 : i32
      %dma_wait3A_21 = tpu.memref_slice %arg2[%dma_wait3A, %dma_wait3A_20] : memref<25000x128xf32, #tpu.memory_space<hbm>> -> memref<25000x128xf32, #tpu.memory_space<hbm>>
      tpu.wait_indirect_dma semaphore(%arg18 : memref<!tpu.dma_semaphore, #tpu.memory_space<semaphore_mem>>) src(%dma_wait3A_21 : memref<25000x128xf32, #tpu.memory_space<hbm>>) dst(%arg13 : memref<112x128xf32, #tpu.memory_space<vmem>>)
      %dma_wait3A_22 = arith.constant 0 : i32
      %dma_wait3A_23 = arith.constant 0 : i32
      %dma_wait3A_24 = tpu.memref_slice %arg2[%dma_wait3A_22, %dma_wait3A_23] : memref<25000x128xf32, #tpu.memory_space<hbm>> -> memref<25000x128xf32, #tpu.memory_space<hbm>>
      tpu.wait_indirect_dma semaphore(%arg18 : memref<!tpu.dma_semaphore, #tpu.memory_space<semaphore_mem>>) src(%dma_wait3A_24 : memref<25000x128xf32, #tpu.memory_space<hbm>>) dst(%arg14 : memref<112x128xf32, #tpu.memory_space<vmem>>)
      %dma_wait3A_25 = arith.constant 0 : i32
      %dma_wait3A_26 = arith.constant 0 : i32
      %dma_wait3A_27 = tpu.memref_slice %arg2[%dma_wait3A_25, %dma_wait3A_26] : memref<25000x128xf32, #tpu.memory_space<hbm>> -> memref<25000x128xf32, #tpu.memory_space<hbm>>
      tpu.wait_indirect_dma semaphore(%arg18 : memref<!tpu.dma_semaphore, #tpu.memory_space<semaphore_mem>>) src(%dma_wait3A_27 : memref<25000x128xf32, #tpu.memory_space<hbm>>) dst(%arg15 : memref<112x128xf32, #tpu.memory_space<vmem>>)
      %scan3A_28 = arith.constant 0 : i32
      %scan3A_29 = arith.constant 0 : i32
      %scan3A_30 = arith.constant 112 : i32
      %scan3A_31 = arith.addi %scan3A_29, %scan3A_30 : i32
      %scan3A_32 = arith.constant 1 : i32
      scf.for %scan3A_34 = %scan3A_29 to %scan3A_31 step %scan3A_32  : i32 {
        %get3A = arith.index_cast %scan3A_34 : i32 to index
        %get3A_35 = arith.constant 0 : index
        %get3A_36 = tpu.vector_load %arg12[%get3A, %get3A_35] {strides = array<i32>} : memref<112x48xf32, #tpu.memory_space<vmem>>, vector<1x16xf32>,
        %get3A_37 = vector.shape_cast %get3A_36 : vector<1x16xf32> to vector<16xf32>
        %get3A_38 = arith.index_cast %scan3A_34 : i32 to index
        %get3A_39 = arith.constant 16 : index
        %get3A_40 = tpu.vector_load %arg12[%get3A_38, %get3A_39] {strides = array<i32>} : memref<112x48xf32, #tpu.memory_space<vmem>>, vector<1x16xf32>,
        %get3A_41 = vector.shape_cast %get3A_40 : vector<1x16xf32> to vector<16xf32>
        %get3A_42 = arith.index_cast %scan3A_34 : i32 to index
        %get3A_43 = arith.constant 32 : index
        %get3A_44 = tpu.vector_load %arg12[%get3A_42, %get3A_43] {strides = array<i32>} : memref<112x48xf32, #tpu.memory_space<vmem>>, vector<1x16xf32>,
        %get3A_45 = vector.shape_cast %get3A_44 : vector<1x16xf32> to vector<16xf32>
        %get3A_46 = arith.index_cast %scan3A_34 : i32 to index
        %get3A_47 = arith.constant 0 : index
        %get3A_48 = tpu.vector_load %arg16[%get3A_46, %get3A_47] {strides = array<i32>} : memref<112x128xf32, #tpu.memory_space<vmem>>, vector<1x16xf32>,
        %get3A_49 = vector.shape_cast %get3A_48 : vector<1x16xf32> to vector<16xf32>
        %get3A_50 = arith.index_cast %scan3A_34 : i32 to index
        %get3A_51 = arith.constant 0 : index
        %get3A_52 = tpu.vector_load %arg13[%get3A_50, %get3A_51] {strides = array<i32>} : memref<112x128xf32, #tpu.memory_space<vmem>>, vector<1x16xf32>,
        %get3A_53 = vector.shape_cast %get3A_52 : vector<1x16xf32> to vector<16xf32>
        %mul3A_54 = arith.mulf %get3A_37, %get3A_53 : vector<16xf32>
        %add3A_55 = arith.addf %get3A_49, %mul3A_54 : vector<16xf32>
        %get3A_56 = arith.index_cast %scan3A_34 : i32 to index
        %get3A_57 = arith.constant 0 : index
        %get3A_58 = tpu.vector_load %arg14[%get3A_56, %get3A_57] {strides = array<i32>} : memref<112x128xf32, #tpu.memory_space<vmem>>, vector<1x16xf32>,
        %get3A_59 = vector.shape_cast %get3A_58 : vector<1x16xf32> to vector<16xf32>
        %mul3A_60 = arith.mulf %get3A_41, %get3A_59 : vector<16xf32>
        %add3A_61 = arith.addf %add3A_55, %mul3A_60 : vector<16xf32>
        %get3A_62 = arith.index_cast %scan3A_34 : i32 to index
        %get3A_63 = arith.constant 0 : index
        %get3A_64 = tpu.vector_load %arg15[%get3A_62, %get3A_63] {strides = array<i32>} : memref<112x128xf32, #tpu.memory_space<vmem>>, vector<1x16xf32>,
        %get3A_65 = vector.shape_cast %get3A_64 : vector<1x16xf32> to vector<16xf32>
        %mul3A_66 = arith.mulf %get3A_45, %get3A_65 : vector<16xf32>
        %add3A_67 = arith.addf %add3A_61, %mul3A_66 : vector<16xf32>
        %swap3A = arith.index_cast %scan3A_34 : i32 to index
        %swap3A_68 = arith.constant 0 : index
        %swap3A_69 = tpu.vector_load %arg17[%swap3A, %swap3A_68] {strides = array<i32>} : memref<112x128xf32, #tpu.memory_space<vmem>>, vector<1x16xf32>,
        %swap3A_70 = vector.shape_cast %swap3A_69 : vector<1x16xf32> to vector<16xf32>
        %swap3A_71 = vector.shape_cast %add3A_67 : vector<16xf32> to vector<1x16xf32>
        tpu.vector_store %arg17[%swap3A, %swap3A_68], %swap3A_71 {strides = array<i32>} : memref<112x128xf32, #tpu.memory_space<vmem>>, vector<1x16xf32>,
        %get3A_72 = arith.index_cast %scan3A_34 : i32 to index
        %get3A_73 = arith.constant 16 : index
        %get3A_74 = tpu.vector_load %arg16[%get3A_72, %get3A_73] {strides = array<i32>} : memref<112x128xf32, #tpu.memory_space<vmem>>, vector<1x16xf32>,
        %get3A_75 = vector.shape_cast %get3A_74 : vector<1x16xf32> to vector<16xf32>
        %get3A_76 = arith.index_cast %scan3A_34 : i32 to index
        %get3A_77 = arith.constant 16 : index
        %get3A_78 = tpu.vector_load %arg13[%get3A_76, %get3A_77] {strides = array<i32>} : memref<112x128xf32, #tpu.memory_space<vmem>>, vector<1x16xf32>,
        %get3A_79 = vector.shape_cast %get3A_78 : vector<1x16xf32> to vector<16xf32>
        %mul3A_80 = arith.mulf %get3A_37, %get3A_79 : vector<16xf32>
        %add3A_81 = arith.addf %get3A_75, %mul3A_80 : vector<16xf32>
        %get3A_82 = arith.index_cast %scan3A_34 : i32 to index
        %get3A_83 = arith.constant 16 : index
        %get3A_84 = tpu.vector_load %arg14[%get3A_82, %get3A_83] {strides = array<i32>} : memref<112x128xf32, #tpu.memory_space<vmem>>, vector<1x16xf32>,
        %get3A_85 = vector.shape_cast %get3A_84 : vector<1x16xf32> to vector<16xf32>
        %mul3A_86 = arith.mulf %get3A_41, %get3A_85 : vector<16xf32>
        %add3A_87 = arith.addf %add3A_81, %mul3A_86 : vector<16xf32>
        %get3A_88 = arith.index_cast %scan3A_34 : i32 to index
        %get3A_89 = arith.constant 16 : index
        %get3A_90 = tpu.vector_load %arg15[%get3A_88, %get3A_89] {strides = array<i32>} : memref<112x128xf32, #tpu.memory_space<vmem>>, vector<1x16xf32>,
        %get3A_91 = vector.shape_cast %get3A_90 : vector<1x16xf32> to vector<16xf32>
        %mul3A_92 = arith.mulf %get3A_45, %get3A_91 : vector<16xf32>
        %add3A_93 = arith.addf %add3A_87, %mul3A_92 : vector<16xf32>
        %swap3A_94 = arith.index_cast %scan3A_34 : i32 to index
        %swap3A_95 = arith.constant 16 : index
        %swap3A_96 = tpu.vector_load %arg17[%swap3A_94, %swap3A_95] {strides = array<i32>} : memref<112x128xf32, #tpu.memory_space<vmem>>, vector<1x16xf32>,
        %swap3A_97 = vector.shape_cast %swap3A_96 : vector<1x16xf32> to vector<16xf32>
        %swap3A_98 = vector.shape_cast %add3A_93 : vector<16xf32> to vector<1x16xf32>
        tpu.vector_store %arg17[%swap3A_94, %swap3A_95], %swap3A_98 {strides = array<i32>} : memref<112x128xf32, #tpu.memory_space<vmem>>, vector<1x16xf32>,
        %get3A_99 = arith.index_cast %scan3A_34 : i32 to index
        %get3A_100 = arith.constant 32 : index
        %get3A_101 = tpu.vector_load %arg16[%get3A_99, %get3A_100] {strides = array<i32>} : memref<112x128xf32, #tpu.memory_space<vmem>>, vector<1x16xf32>,
        %get3A_102 = vector.shape_cast %get3A_101 : vector<1x16xf32> to vector<16xf32>
        %get3A_103 = arith.index_cast %scan3A_34 : i32 to index
        %get3A_104 = arith.constant 32 : index
        %get3A_105 = tpu.vector_load %arg13[%get3A_103, %get3A_104] {strides = array<i32>} : memref<112x128xf32, #tpu.memory_space<vmem>>, vector<1x16xf32>,
        %get3A_106 = vector.shape_cast %get3A_105 : vector<1x16xf32> to vector<16xf32>
        %mul3A_107 = arith.mulf %get3A_37, %get3A_106 : vector<16xf32>
        %add3A_108 = arith.addf %get3A_102, %mul3A_107 : vector<16xf32>
        %get3A_109 = arith.index_cast %scan3A_34 : i32 to index
        %get3A_110 = arith.constant 32 : index
        %get3A_111 = tpu.vector_load %arg14[%get3A_109, %get3A_110] {strides = array<i32>} : memref<112x128xf32, #tpu.memory_space<vmem>>, vector<1x16xf32>,
        %get3A_112 = vector.shape_cast %get3A_111 : vector<1x16xf32> to vector<16xf32>
        %mul3A_113 = arith.mulf %get3A_41, %get3A_112 : vector<16xf32>
        %add3A_114 = arith.addf %add3A_108, %mul3A_113 : vector<16xf32>
        %get3A_115 = arith.index_cast %scan3A_34 : i32 to index
        %get3A_116 = arith.constant 32 : index
        %get3A_117 = tpu.vector_load %arg15[%get3A_115, %get3A_116] {strides = array<i32>} : memref<112x128xf32, #tpu.memory_space<vmem>>, vector<1x16xf32>,
        %get3A_118 = vector.shape_cast %get3A_117 : vector<1x16xf32> to vector<16xf32>
        %mul3A_119 = arith.mulf %get3A_45, %get3A_118 : vector<16xf32>
        %add3A_120 = arith.addf %add3A_114, %mul3A_119 : vector<16xf32>
        %swap3A_121 = arith.index_cast %scan3A_34 : i32 to index
        %swap3A_122 = arith.constant 32 : index
        %swap3A_123 = tpu.vector_load %arg17[%swap3A_121, %swap3A_122] {strides = array<i32>} : memref<112x128xf32, #tpu.memory_space<vmem>>, vector<1x16xf32>,
        %swap3A_124 = vector.shape_cast %swap3A_123 : vector<1x16xf32> to vector<16xf32>
        %swap3A_125 = vector.shape_cast %add3A_120 : vector<16xf32> to vector<1x16xf32>
        tpu.vector_store %arg17[%swap3A_121, %swap3A_122], %swap3A_125 {strides = array<i32>} : memref<112x128xf32, #tpu.memory_space<vmem>>, vector<1x16xf32>,
        %get3A_126 = arith.index_cast %scan3A_34 : i32 to index
        %get3A_127 = arith.constant 48 : index
        %get3A_128 = tpu.vector_load %arg16[%get3A_126, %get3A_127] {strides = array<i32>} : memref<112x128xf32, #tpu.memory_space<vmem>>, vector<1x16xf32>,
        %get3A_129 = vector.shape_cast %get3A_128 : vector<1x16xf32> to vector<16xf32>
        %get3A_130 = arith.index_cast %scan3A_34 : i32 to index
        %get3A_131 = arith.constant 48 : index
        %get3A_132 = tpu.vector_load %arg13[%get3A_130, %get3A_131] {strides = array<i32>} : memref<112x128xf32, #tpu.memory_space<vmem>>, vector<1x16xf32>,
        %get3A_133 = vector.shape_cast %get3A_132 : vector<1x16xf32> to vector<16xf32>
        %mul3A_134 = arith.mulf %get3A_37, %get3A_133 : vector<16xf32>
        %add3A_135 = arith.addf %get3A_129, %mul3A_134 : vector<16xf32>
        %get3A_136 = arith.index_cast %scan3A_34 : i32 to index
        %get3A_137 = arith.constant 48 : index
        %get3A_138 = tpu.vector_load %arg14[%get3A_136, %get3A_137] {strides = array<i32>} : memref<112x128xf32, #tpu.memory_space<vmem>>, vector<1x16xf32>,
        %get3A_139 = vector.shape_cast %get3A_138 : vector<1x16xf32> to vector<16xf32>
        %mul3A_140 = arith.mulf %get3A_41, %get3A_139 : vector<16xf32>
        %add3A_141 = arith.addf %add3A_135, %mul3A_140 : vector<16xf32>
        %get3A_142 = arith.index_cast %scan3A_34 : i32 to index
        %get3A_143 = arith.constant 48 : index
        %get3A_144 = tpu.vector_load %arg15[%get3A_142, %get3A_143] {strides = array<i32>} : memref<112x128xf32, #tpu.memory_space<vmem>>, vector<1x16xf32>,
        %get3A_145 = vector.shape_cast %get3A_144 : vector<1x16xf32> to vector<16xf32>
        %mul3A_146 = arith.mulf %get3A_45, %get3A_145 : vector<16xf32>
        %add3A_147 = arith.addf %add3A_141, %mul3A_146 : vector<16xf32>
        %swap3A_148 = arith.index_cast %scan3A_34 : i32 to index
        %swap3A_149 = arith.constant 48 : index
        %swap3A_150 = tpu.vector_load %arg17[%swap3A_148, %swap3A_149] {strides = array<i32>} : memref<112x128xf32, #tpu.memory_space<vmem>>, vector<1x16xf32>,
        %swap3A_151 = vector.shape_cast %swap3A_150 : vector<1x16xf32> to vector<16xf32>
        %swap3A_152 = vector.shape_cast %add3A_147 : vector<16xf32> to vector<1x16xf32>
        tpu.vector_store %arg17[%swap3A_148, %swap3A_149], %swap3A_152 {strides = array<i32>} : memref<112x128xf32, #tpu.memory_space<vmem>>, vector<1x16xf32>,
        %get3A_153 = arith.index_cast %scan3A_34 : i32 to index
        %get3A_154 = arith.constant 64 : index
        %get3A_155 = tpu.vector_load %arg16[%get3A_153, %get3A_154] {strides = array<i32>} : memref<112x128xf32, #tpu.memory_space<vmem>>, vector<1x16xf32>,
        %get3A_156 = vector.shape_cast %get3A_155 : vector<1x16xf32> to vector<16xf32>
        %get3A_157 = arith.index_cast %scan3A_34 : i32 to index
        %get3A_158 = arith.constant 64 : index
        %get3A_159 = tpu.vector_load %arg13[%get3A_157, %get3A_158] {strides = array<i32>} : memref<112x128xf32, #tpu.memory_space<vmem>>, vector<1x16xf32>,
        %get3A_160 = vector.shape_cast %get3A_159 : vector<1x16xf32> to vector<16xf32>
        %mul3A_161 = arith.mulf %get3A_37, %get3A_160 : vector<16xf32>
        %add3A_162 = arith.addf %get3A_156, %mul3A_161 : vector<16xf32>
        %get3A_163 = arith.index_cast %scan3A_34 : i32 to index
        %get3A_164 = arith.constant 64 : index
        %get3A_165 = tpu.vector_load %arg14[%get3A_163, %get3A_164] {strides = array<i32>} : memref<112x128xf32, #tpu.memory_space<vmem>>, vector<1x16xf32>,
        %get3A_166 = vector.shape_cast %get3A_165 : vector<1x16xf32> to vector<16xf32>
        %mul3A_167 = arith.mulf %get3A_41, %get3A_166 : vector<16xf32>
        %add3A_168 = arith.addf %add3A_162, %mul3A_167 : vector<16xf32>
        %get3A_169 = arith.index_cast %scan3A_34 : i32 to index
        %get3A_170 = arith.constant 64 : index
        %get3A_171 = tpu.vector_load %arg15[%get3A_169, %get3A_170] {strides = array<i32>} : memref<112x128xf32, #tpu.memory_space<vmem>>, vector<1x16xf32>,
        %get3A_172 = vector.shape_cast %get3A_171 : vector<1x16xf32> to vector<16xf32>
        %mul3A_173 = arith.mulf %get3A_45, %get3A_172 : vector<16xf32>
        %add3A_174 = arith.addf %add3A_168, %mul3A_173 : vector<16xf32>
        %swap3A_175 = arith.index_cast %scan3A_34 : i32 to index
        %swap3A_176 = arith.constant 64 : index
        %swap3A_177 = tpu.vector_load %arg17[%swap3A_175, %swap3A_176] {strides = array<i32>} : memref<112x128xf32, #tpu.memory_space<vmem>>, vector<1x16xf32>,
        %swap3A_178 = vector.shape_cast %swap3A_177 : vector<1x16xf32> to vector<16xf32>
        %swap3A_179 = vector.shape_cast %add3A_174 : vector<16xf32> to vector<1x16xf32>
        tpu.vector_store %arg17[%swap3A_175, %swap3A_176], %swap3A_179 {strides = array<i32>} : memref<112x128xf32, #tpu.memory_space<vmem>>, vector<1x16xf32>,
        %get3A_180 = arith.index_cast %scan3A_34 : i32 to index
        %get3A_181 = arith.constant 80 : index
        %get3A_182 = tpu.vector_load %arg16[%get3A_180, %get3A_181] {strides = array<i32>} : memref<112x128xf32, #tpu.memory_space<vmem>>, vector<1x16xf32>,
        %get3A_183 = vector.shape_cast %get3A_182 : vector<1x16xf32> to vector<16xf32>
        %get3A_184 = arith.index_cast %scan3A_34 : i32 to index
        %get3A_185 = arith.constant 80 : index
        %get3A_186 = tpu.vector_load %arg13[%get3A_184, %get3A_185] {strides = array<i32>} : memref<112x128xf32, #tpu.memory_space<vmem>>, vector<1x16xf32>,
        %get3A_187 = vector.shape_cast %get3A_186 : vector<1x16xf32> to vector<16xf32>
        %mul3A_188 = arith.mulf %get3A_37, %get3A_187 : vector<16xf32>
        %add3A_189 = arith.addf %get3A_183, %mul3A_188 : vector<16xf32>
        %get3A_190 = arith.index_cast %scan3A_34 : i32 to index
        %get3A_191 = arith.constant 80 : index
        %get3A_192 = tpu.vector_load %arg14[%get3A_190, %get3A_191] {strides = array<i32>} : memref<112x128xf32, #tpu.memory_space<vmem>>, vector<1x16xf32>,
        %get3A_193 = vector.shape_cast %get3A_192 : vector<1x16xf32> to vector<16xf32>
        %mul3A_194 = arith.mulf %get3A_41, %get3A_193 : vector<16xf32>
        %add3A_195 = arith.addf %add3A_189, %mul3A_194 : vector<16xf32>
        %get3A_196 = arith.index_cast %scan3A_34 : i32 to index
        %get3A_197 = arith.constant 80 : index
        %get3A_198 = tpu.vector_load %arg15[%get3A_196, %get3A_197] {strides = array<i32>} : memref<112x128xf32, #tpu.memory_space<vmem>>, vector<1x16xf32>,
        %get3A_199 = vector.shape_cast %get3A_198 : vector<1x16xf32> to vector<16xf32>
        %mul3A_200 = arith.mulf %get3A_45, %get3A_199 : vector<16xf32>
        %add3A_201 = arith.addf %add3A_195, %mul3A_200 : vector<16xf32>
        %swap3A_202 = arith.index_cast %scan3A_34 : i32 to index
        %swap3A_203 = arith.constant 80 : index
        %swap3A_204 = tpu.vector_load %arg17[%swap3A_202, %swap3A_203] {strides = array<i32>} : memref<112x128xf32, #tpu.memory_space<vmem>>, vector<1x16xf32>,
        %swap3A_205 = vector.shape_cast %swap3A_204 : vector<1x16xf32> to vector<16xf32>
        %swap3A_206 = vector.shape_cast %add3A_201 : vector<16xf32> to vector<1x16xf32>
        tpu.vector_store %arg17[%swap3A_202, %swap3A_203], %swap3A_206 {strides = array<i32>} : memref<112x128xf32, #tpu.memory_space<vmem>>, vector<1x16xf32>,
        %get3A_207 = arith.index_cast %scan3A_34 : i32 to index
        %get3A_208 = arith.constant 96 : index
        %get3A_209 = tpu.vector_load %arg16[%get3A_207, %get3A_208] {strides = array<i32>} : memref<112x128xf32, #tpu.memory_space<vmem>>, vector<1x16xf32>,
        %get3A_210 = vector.shape_cast %get3A_209 : vector<1x16xf32> to vector<16xf32>
        %get3A_211 = arith.index_cast %scan3A_34 : i32 to index
        %get3A_212 = arith.constant 96 : index
        %get3A_213 = tpu.vector_load %arg13[%get3A_211, %get3A_212] {strides = array<i32>} : memref<112x128xf32, #tpu.memory_space<vmem>>, vector<1x16xf32>,
        %get3A_214 = vector.shape_cast %get3A_213 : vector<1x16xf32> to vector<16xf32>
        %mul3A_215 = arith.mulf %get3A_37, %get3A_214 : vector<16xf32>
        %add3A_216 = arith.addf %get3A_210, %mul3A_215 : vector<16xf32>
        %get3A_217 = arith.index_cast %scan3A_34 : i32 to index
        %get3A_218 = arith.constant 96 : index
        %get3A_219 = tpu.vector_load %arg14[%get3A_217, %get3A_218] {strides = array<i32>} : memref<112x128xf32, #tpu.memory_space<vmem>>, vector<1x16xf32>,
        %get3A_220 = vector.shape_cast %get3A_219 : vector<1x16xf32> to vector<16xf32>
        %mul3A_221 = arith.mulf %get3A_41, %get3A_220 : vector<16xf32>
        %add3A_222 = arith.addf %add3A_216, %mul3A_221 : vector<16xf32>
        %get3A_223 = arith.index_cast %scan3A_34 : i32 to index
        %get3A_224 = arith.constant 96 : index
        %get3A_225 = tpu.vector_load %arg15[%get3A_223, %get3A_224] {strides = array<i32>} : memref<112x128xf32, #tpu.memory_space<vmem>>, vector<1x16xf32>,
        %get3A_226 = vector.shape_cast %get3A_225 : vector<1x16xf32> to vector<16xf32>
        %mul3A_227 = arith.mulf %get3A_45, %get3A_226 : vector<16xf32>
        %add3A_228 = arith.addf %add3A_222, %mul3A_227 : vector<16xf32>
        %swap3A_229 = arith.index_cast %scan3A_34 : i32 to index
        %swap3A_230 = arith.constant 96 : index
        %swap3A_231 = tpu.vector_load %arg17[%swap3A_229, %swap3A_230] {strides = array<i32>} : memref<112x128xf32, #tpu.memory_space<vmem>>, vector<1x16xf32>,
        %swap3A_232 = vector.shape_cast %swap3A_231 : vector<1x16xf32> to vector<16xf32>
        %swap3A_233 = vector.shape_cast %add3A_228 : vector<16xf32> to vector<1x16xf32>
        tpu.vector_store %arg17[%swap3A_229, %swap3A_230], %swap3A_233 {strides = array<i32>} : memref<112x128xf32, #tpu.memory_space<vmem>>, vector<1x16xf32>,
        %get3A_234 = arith.index_cast %scan3A_34 : i32 to index
        %get3A_235 = arith.constant 112 : index
        %get3A_236 = tpu.vector_load %arg16[%get3A_234, %get3A_235] {strides = array<i32>} : memref<112x128xf32, #tpu.memory_space<vmem>>, vector<1x16xf32>,
        %get3A_237 = vector.shape_cast %get3A_236 : vector<1x16xf32> to vector<16xf32>
        %get3A_238 = arith.index_cast %scan3A_34 : i32 to index
        %get3A_239 = arith.constant 112 : index
        %get3A_240 = tpu.vector_load %arg13[%get3A_238, %get3A_239] {strides = array<i32>} : memref<112x128xf32, #tpu.memory_space<vmem>>, vector<1x16xf32>,
        %get3A_241 = vector.shape_cast %get3A_240 : vector<1x16xf32> to vector<16xf32>
        %mul3A_242 = arith.mulf %get3A_37, %get3A_241 : vector<16xf32>
        %add3A_243 = arith.addf %get3A_237, %mul3A_242 : vector<16xf32>
        %get3A_244 = arith.index_cast %scan3A_34 : i32 to index
        %get3A_245 = arith.constant 112 : index
        %get3A_246 = tpu.vector_load %arg14[%get3A_244, %get3A_245] {strides = array<i32>} : memref<112x128xf32, #tpu.memory_space<vmem>>, vector<1x16xf32>,
        %get3A_247 = vector.shape_cast %get3A_246 : vector<1x16xf32> to vector<16xf32>
        %mul3A_248 = arith.mulf %get3A_41, %get3A_247 : vector<16xf32>
        %add3A_249 = arith.addf %add3A_243, %mul3A_248 : vector<16xf32>
        %get3A_250 = arith.index_cast %scan3A_34 : i32 to index
        %get3A_251 = arith.constant 112 : index
        %get3A_252 = tpu.vector_load %arg15[%get3A_250, %get3A_251] {strides = array<i32>} : memref<112x128xf32, #tpu.memory_space<vmem>>, vector<1x16xf32>,
        %get3A_253 = vector.shape_cast %get3A_252 : vector<1x16xf32> to vector<16xf32>
        %mul3A_254 = arith.mulf %get3A_45, %get3A_253 : vector<16xf32>
        %add3A_255 = arith.addf %add3A_249, %mul3A_254 : vector<16xf32>
        %swap3A_256 = arith.index_cast %scan3A_34 : i32 to index
        %swap3A_257 = arith.constant 112 : index
        %swap3A_258 = tpu.vector_load %arg17[%swap3A_256, %swap3A_257] {strides = array<i32>} : memref<112x128xf32, #tpu.memory_space<vmem>>, vector<1x16xf32>,
        %swap3A_259 = vector.shape_cast %swap3A_258 : vector<1x16xf32> to vector<16xf32>
        %swap3A_260 = vector.shape_cast %add3A_255 : vector<16xf32> to vector<1x16xf32>
        tpu.vector_store %arg17[%swap3A_256, %swap3A_257], %swap3A_260 {strides = array<i32>} : memref<112x128xf32, #tpu.memory_space<vmem>>, vector<1x16xf32>,
      }
      %scan3A_33 = arith.constant 112 : i32
      "tpu.region"() ({
        %run_scoped3A = tpu.sem_alloc : memref<!tpu.dma_semaphore, #tpu.memory_space<semaphore_mem>>
        %dma_start3A_34 = arith.constant 0 : i32
        %dma_start3A_35 = tpu.memref_slice %arg8[%add3A_11, %dma_start3A_34] : memref<50176x128xf32, #tpu.memory_space<hbm>> -> memref<112x128xf32, #tpu.memory_space<hbm>>
        %dma_start3A_36 = arith.constant 0 : i32
        %dma_start3A_37 = tpu.memref_slice %arg8[%add3A_11, %dma_start3A_36] : memref<50176x128xf32, #tpu.memory_space<hbm>> -> memref<112x128xf32, #tpu.memory_space<hbm>>
        tpu.enqueue_dma source(%arg17 : memref<112x128xf32, #tpu.memory_space<vmem>>) target(%dma_start3A_37 : memref<112x128xf32, #tpu.memory_space<hbm>>) target_semaphore(%run_scoped3A : memref<!tpu.dma_semaphore, #tpu.memory_space<semaphore_mem>>)
        %dma_wait3A_38 = arith.constant 0 : i32
        %dma_wait3A_39 = tpu.memref_slice %arg8[%add3A_11, %dma_wait3A_38] : memref<50176x128xf32, #tpu.memory_space<hbm>> -> memref<112x128xf32, #tpu.memory_space<hbm>>
        %dma_wait3A_40 = arith.constant 0 : i32
        %dma_wait3A_41 = tpu.memref_slice %arg8[%add3A_11, %dma_wait3A_40] : memref<50176x128xf32, #tpu.memory_space<hbm>> -> memref<112x128xf32, #tpu.memory_space<hbm>>
        tpu.wait_dma2 semaphore(%run_scoped3A : memref<!tpu.dma_semaphore, #tpu.memory_space<semaphore_mem>>) src(%arg17 : memref<112x128xf32, #tpu.memory_space<vmem>>) dst(%dma_wait3A_41 : memref<112x128xf32, #tpu.memory_space<hbm>>)
        tpu.yield
      }) : () -> ()
    }
    %scan3A_7 = arith.constant 14 : i32
    return
  }
}

module attributes {stable_mosaic.version = 14 : i64} {
  func.func @_knn_body(%arg0: i32, %arg1: memref<400x3xf32, #tpu.memory_space<vmem>>, %arg2: memref<400x128xf32, #tpu.memory_space<vmem>>, %arg3: memref<3x25088xf32, #tpu.memory_space<vmem>>, %arg4: memref<128x128xf32, #tpu.memory_space<vmem>>, %arg5: memref<1x128xf32, #tpu.memory_space<vmem>>, %arg6: memref<400x3xi32, #tpu.memory_space<vmem>>, %arg7: memref<400x48xf32, #tpu.memory_space<vmem>>, %arg8: memref<400x128xf32, #tpu.memory_space<vmem>>, %arg9: memref<400x896xf32, #tpu.memory_space<vmem>>, %arg10: memref<400x896xf32, #tpu.memory_space<vmem>>) attributes {dimension_semantics = [#tpu.dimension_semantics<parallel>], iteration_bounds = array<i64: 125>, scalar_prefetch = 0 : i64, scratch_operands = 2 : i64, tpu.core_type = #tpu.core_type<tc>, window_params = [{transform_indices = @transform_0, window_bounds = array<i64: 400, 3>}, {transform_indices = @transform_1, window_bounds = array<i64: 400, 128>}, {pipeline_mode = #tpu.pipeline_mode<synchronous>, transform_indices = @transform_2, window_bounds = array<i64: 3, 25088>}, {pipeline_mode = #tpu.pipeline_mode<synchronous>, transform_indices = @transform_3, window_bounds = array<i64: 128, 128>}, {pipeline_mode = #tpu.pipeline_mode<synchronous>, transform_indices = @transform_4, window_bounds = array<i64: 1, 128>}, {transform_indices = @transform_5, window_bounds = array<i64: 400, 3>}, {transform_indices = @transform_6, window_bounds = array<i64: 400, 48>}, {transform_indices = @transform_7, window_bounds = array<i64: 400, 128>}]} {
    %get3A = arith.constant 0 : index
    %get3A_0 = arith.constant 0 : index
    %get3A_1 = vector.load %arg2[%get3A, %get3A_0] : memref<400x128xf32, #tpu.memory_space<vmem>>, vector<400x128xf32>
    %get3A_2 = arith.constant 0 : index
    %get3A_3 = arith.constant 0 : index
    %get3A_4 = vector.load %arg4[%get3A_2, %get3A_3] : memref<128x128xf32, #tpu.memory_space<vmem>>, vector<128x128xf32>
    %dot_general3A = arith.constant dense<0.000000e+00> : vector<400x128xf32>
    %dot_general3A_5 = tpu.matmul %get3A_1, %get3A_4, %dot_general3A {dimension_numbers = #tpu.dot_dimension_numbers<[1], [0], [0], [1], [0, 0, 1, 1], [], []>, transpose_lhs_hint = false} : vector<400x128xf32>, vector<128x128xf32>, vector<400x128xf32> -> vector<400x128xf32>
    %get3A_6 = arith.constant 0 : index
    %get3A_7 = arith.constant 0 : index
    %get3A_8 = vector.load %arg5[%get3A_6, %get3A_7] : memref<1x128xf32, #tpu.memory_space<vmem>>, vector<1x128xf32>
    %add3A = vector.broadcast %get3A_8 : vector<1x128xf32> to vector<400x128xf32>
    %add3A_9 = arith.addf %dot_general3A_5, %add3A : vector<400x128xf32>
    %max3A = arith.constant 0.000000e+00 : f32
    %max3A_10 = vector.broadcast %max3A : f32 to vector<400x128xf32>
    %max3A_11 = arith.maximumf %add3A_9, %max3A_10 : vector<400x128xf32>
    %swap3A = arith.constant 0 : index
    %swap3A_12 = arith.constant 0 : index
    %swap3A_13 = vector.load %arg8[%swap3A, %swap3A_12] : memref<400x128xf32, #tpu.memory_space<vmem>>, vector<400x128xf32>
    tpu.vector_store %arg8[%swap3A, %swap3A_12], %max3A_11 {strides = array<i32>} : memref<400x128xf32, #tpu.memory_space<vmem>>, vector<400x128xf32>,
    %get3A_14 = arith.constant 0 : index
    %get3A_15 = arith.constant 0 : index
    %get3A_16 = vector.load %arg1[%get3A_14, %get3A_15] : memref<400x3xf32, #tpu.memory_space<vmem>>, vector<400x3xf32>
    %mul3A = arith.mulf %get3A_16, %get3A_16 : vector<400x3xf32>
    %reduce_sum3A = arith.constant dense<0.000000e+00> : vector<400xf32>
    %reduce_sum3A_17 = vector.multi_reduction <add>, %mul3A, %reduce_sum3A [1] : vector<400x3xf32> to vector<400xf32>
    %broadcast_in_dim3A = vector.shape_cast %reduce_sum3A_17 : vector<400xf32> to vector<400x1xf32>
    %mul3A_18 = arith.constant -2.000000e+00 : f32
    %mul3A_19 = vector.broadcast %mul3A_18 : f32 to vector<400x3xf32>
    %mul3A_20 = arith.mulf %mul3A_19, %get3A_16 : vector<400x3xf32>
    %broadcast_in_dim3A_21 = arith.constant 1.000000e+30 : f32
    %broadcast_in_dim3A_22 = vector.broadcast %broadcast_in_dim3A_21 : f32 to vector<400x896xf32>
    %swap3A_23 = arith.constant 0 : index
    %swap3A_24 = arith.constant 0 : index
    %swap3A_25 = vector.load %arg9[%swap3A_23, %swap3A_24] : memref<400x896xf32, #tpu.memory_space<vmem>>, vector<400x896xf32>
    tpu.vector_store %arg9[%swap3A_23, %swap3A_24], %broadcast_in_dim3A_22 {strides = array<i32>} : memref<400x896xf32, #tpu.memory_space<vmem>>, vector<400x896xf32>,
    %broadcast_in_dim3A_26 = arith.constant 1.000000e+30 : f32
    %broadcast_in_dim3A_27 = vector.broadcast %broadcast_in_dim3A_26 : f32 to vector<400x896xf32>
    %swap3A_28 = arith.constant 0 : index
    %swap3A_29 = arith.constant 0 : index
    %swap3A_30 = vector.load %arg10[%swap3A_28, %swap3A_29] : memref<400x896xf32, #tpu.memory_space<vmem>>, vector<400x896xf32>
    tpu.vector_store %arg10[%swap3A_28, %swap3A_29], %broadcast_in_dim3A_27 {strides = array<i32>} : memref<400x896xf32, #tpu.memory_space<vmem>>, vector<400x896xf32>,
    %iota3A = tpu.iota {dimensions = array<i32: 1>} : vector<1x3584xi32>
    %jit3A = arith.constant 896 : i32
    %div3A = vector.broadcast %jit3A : i32 to vector<1x3584xi32>
    %div3A_31 = arith.divsi %iota3A, %div3A : vector<1x3584xi32>
    %sign3A = arith.constant 0 : i32
    %sign3A_32 = vector.broadcast %sign3A : i32 to vector<1x3584xi32>
    %sign3A_33 = arith.cmpi sgt, %iota3A, %sign3A_32 : vector<1x3584xi32>
    %sign3A_34 = arith.extui %sign3A_33 : vector<1x3584xi1> to vector<1x3584xi32>
    %sign3A_35 = arith.constant 0 : i32
    %sign3A_36 = vector.broadcast %sign3A_35 : i32 to vector<1x3584xi32>
    %sign3A_37 = arith.cmpi slt, %iota3A, %sign3A_36 : vector<1x3584xi32>
    %sign3A_38 = arith.extui %sign3A_37 : vector<1x3584xi1> to vector<1x3584xi32>
    %sign3A_39 = arith.subi %sign3A_34, %sign3A_38 : vector<1x3584xi32>
    %sign3A_40 = arith.constant 0 : i32
    %sign3A_41 = arith.cmpi sgt, %jit3A, %sign3A_40 : i32
    %sign3A_42 = arith.extui %sign3A_41 : i1 to i32
    %sign3A_43 = arith.constant 0 : i32
    %sign3A_44 = arith.cmpi slt, %jit3A, %sign3A_43 : i32
    %sign3A_45 = arith.extui %sign3A_44 : i1 to i32
    %sign3A_46 = arith.subi %sign3A_42, %sign3A_45 : i32
    %ne3A = vector.broadcast %sign3A_46 : i32 to vector<1x3584xi32>
    %ne3A_47 = arith.cmpi ne, %sign3A_39, %ne3A : vector<1x3584xi32>
    %rem3A = vector.broadcast %jit3A : i32 to vector<1x3584xi32>
    %rem3A_48 = arith.remsi %iota3A, %rem3A : vector<1x3584xi32>
    %ne3A_49 = arith.constant 0 : i32
    %ne3A_50 = vector.broadcast %ne3A_49 : i32 to vector<1x3584xi32>
    %ne3A_51 = arith.cmpi ne, %rem3A_48, %ne3A_50 : vector<1x3584xi32>
    %and3A = arith.andi %ne3A_47, %ne3A_51 : vector<1x3584xi1>
    %sub3A = arith.constant 1 : i32
    %sub3A_52 = vector.broadcast %sub3A : i32 to vector<1x3584xi32>
    %sub3A_53 = arith.subi %div3A_31, %sub3A_52 : vector<1x3584xi32>
    %select_n3A = arith.select %and3A, %sub3A_53, %div3A_31 : vector<1x3584xi1>, vector<1x3584xi32>
    %scan3A = arith.constant 0 : i32
    %scan3A_54 = arith.constant 7 : i32
    %scan3A_55 = arith.addi %scan3A, %scan3A_54 : i32
    %scan3A_56 = arith.constant 1 : i32
    scf.for %scan3A_155 = %scan3A to %scan3A_55 step %scan3A_56  : i32 {
      %mul3A_156 = arith.constant 3584 : i32
      %mul3A_157 = arith.muli %scan3A_155, %mul3A_156 : i32
      %get3A_158 = arith.constant 0 : index
      %get3A_159 = arith.index_cast %mul3A_157 : i32 to index
      %get3A_160 = vector.load %arg3[%get3A_158, %get3A_159] : memref<3x25088xf32, #tpu.memory_space<vmem>>, vector<3x3584xf32>
      %mul3A_161 = arith.mulf %get3A_160, %get3A_160 : vector<3x3584xf32>
      %reduce_sum3A_162 = arith.constant dense<0.000000e+00> : vector<3584xf32>
      %reduce_sum3A_163 = vector.multi_reduction <add>, %mul3A_161, %reduce_sum3A_162 [0] : vector<3x3584xf32> to vector<3584xf32>
      %broadcast_in_dim3A_164 = vector.shape_cast %reduce_sum3A_163 : vector<3584xf32> to vector<1x3584xf32>
      %dot_general3A_165 = arith.constant dense<0.000000e+00> : vector<400x3584xf32>
      %dot_general3A_166 = tpu.matmul %mul3A_20, %get3A_160, %dot_general3A_165 {dimension_numbers = #tpu.dot_dimension_numbers<[1], [0], [0], [1], [0, 0, 1, 1], [], []>, transpose_lhs_hint = false} : vector<400x3xf32>, vector<3x3584xf32>, vector<400x3584xf32> -> vector<400x3584xf32>
      %add3A_167 = vector.broadcast %broadcast_in_dim3A : vector<400x1xf32> to vector<400x3584xf32>
      %add3A_168 = arith.addf %add3A_167, %dot_general3A_166 : vector<400x3584xf32>
      %add3A_169 = vector.broadcast %broadcast_in_dim3A_164 : vector<1x3584xf32> to vector<400x3584xf32>
      %add3A_170 = arith.addf %add3A_168, %add3A_169 : vector<400x3584xf32>
      %max3A_171 = arith.constant 0.000000e+00 : f32
      %max3A_172 = vector.broadcast %max3A_171 : f32 to vector<400x3584xf32>
      %max3A_173 = arith.maximumf %add3A_170, %max3A_172 : vector<400x3584xf32>
      %bitcast_convert_type3A_174 = tpu.bitcast %max3A_173 : vector<400x3584xf32> -> vector<400x3584xi32>
      %mul3A_175 = arith.constant 4 : i32
      %mul3A_176 = arith.muli %mul3A_175, %scan3A_155 : i32
      %add3A_177 = arith.constant 8388608 : i32
      %add3A_178 = arith.addi %mul3A_176, %add3A_177 : i32
      %add3A_179 = vector.broadcast %add3A_178 : i32 to vector<1x3584xi32>
      %add3A_180 = arith.addi %add3A_179, %select_n3A : vector<1x3584xi32>
      %and3A_181 = arith.constant -32 : i32
      %and3A_182 = vector.broadcast %and3A_181 : i32 to vector<400x3584xi32>
      %and3A_183 = arith.andi %bitcast_convert_type3A_174, %and3A_182 : vector<400x3584xi32>
      %add3A_184 = vector.broadcast %add3A_180 : vector<1x3584xi32> to vector<400x3584xi32>
      %add3A_185 = arith.addi %and3A_183, %add3A_184 : vector<400x3584xi32>
      %bitcast_convert_type3A_186 = tpu.bitcast %add3A_185 : vector<400x3584xi32> -> vector<400x3584xf32>
      %slice3A_187 = vector.extract_strided_slice %bitcast_convert_type3A_186 {offsets = [0, 0], sizes = [400, 896], strides = [1, 1]} : vector<400x3584xf32> to vector<400x896xf32>
      %slice3A_188 = vector.extract_strided_slice %bitcast_convert_type3A_186 {offsets = [0, 896], sizes = [400, 896], strides = [1, 1]} : vector<400x3584xf32> to vector<400x896xf32>
      %slice3A_189 = vector.extract_strided_slice %bitcast_convert_type3A_186 {offsets = [0, 1792], sizes = [400, 896], strides = [1, 1]} : vector<400x3584xf32> to vector<400x896xf32>
      %slice3A_190 = vector.extract_strided_slice %bitcast_convert_type3A_186 {offsets = [0, 2688], sizes = [400, 896], strides = [1, 1]} : vector<400x3584xf32> to vector<400x896xf32>
      %min3A = arith.minimumf %slice3A_187, %slice3A_188 : vector<400x896xf32>
      %max3A_191 = arith.maximumf %slice3A_187, %slice3A_188 : vector<400x896xf32>
      %min3A_192 = arith.minimumf %slice3A_189, %slice3A_190 : vector<400x896xf32>
      %max3A_193 = arith.maximumf %slice3A_189, %slice3A_190 : vector<400x896xf32>
      %min3A_194 = arith.minimumf %min3A, %min3A_192 : vector<400x896xf32>
      %max3A_195 = arith.maximumf %min3A, %min3A_192 : vector<400x896xf32>
      %min3A_196 = arith.minimumf %max3A_191, %max3A_193 : vector<400x896xf32>
      %min3A_197 = arith.minimumf %max3A_195, %min3A_196 : vector<400x896xf32>
      %get3A_198 = arith.constant 0 : index
      %get3A_199 = arith.constant 0 : index
      %get3A_200 = vector.load %arg9[%get3A_198, %get3A_199] : memref<400x896xf32, #tpu.memory_space<vmem>>, vector<400x896xf32>
      %min3A_201 = arith.minimumf %get3A_200, %min3A_194 : vector<400x896xf32>
      %get3A_202 = arith.constant 0 : index
      %get3A_203 = arith.constant 0 : index
      %get3A_204 = vector.load %arg9[%get3A_202, %get3A_203] : memref<400x896xf32, #tpu.memory_space<vmem>>, vector<400x896xf32>
      %max3A_205 = arith.maximumf %get3A_204, %min3A_194 : vector<400x896xf32>
      %swap3A_206 = arith.constant 0 : index
      %swap3A_207 = arith.constant 0 : index
      %swap3A_208 = vector.load %arg9[%swap3A_206, %swap3A_207] : memref<400x896xf32, #tpu.memory_space<vmem>>, vector<400x896xf32>
      tpu.vector_store %arg9[%swap3A_206, %swap3A_207], %min3A_201 {strides = array<i32>} : memref<400x896xf32, #tpu.memory_space<vmem>>, vector<400x896xf32>,
      %get3A_209 = arith.constant 0 : index
      %get3A_210 = arith.constant 0 : index
      %get3A_211 = vector.load %arg10[%get3A_209, %get3A_210] : memref<400x896xf32, #tpu.memory_space<vmem>>, vector<400x896xf32>
      %min3A_212 = arith.minimumf %get3A_211, %min3A_197 : vector<400x896xf32>
      %min3A_213 = arith.minimumf %max3A_205, %min3A_212 : vector<400x896xf32>
      %swap3A_214 = arith.constant 0 : index
      %swap3A_215 = arith.constant 0 : index
      %swap3A_216 = vector.load %arg10[%swap3A_214, %swap3A_215] : memref<400x896xf32, #tpu.memory_space<vmem>>, vector<400x896xf32>
      tpu.vector_store %arg10[%swap3A_214, %swap3A_215], %min3A_213 {strides = array<i32>} : memref<400x896xf32, #tpu.memory_space<vmem>>, vector<400x896xf32>,
    }
    %scan3A_57 = arith.constant 7 : i32
    %iota3A_58 = tpu.iota {dimensions = array<i32: 1>} : vector<400x896xi32>
    %get3A_59 = arith.constant 0 : index
    %get3A_60 = arith.constant 0 : index
    %get3A_61 = vector.load %arg9[%get3A_59, %get3A_60] : memref<400x896xf32, #tpu.memory_space<vmem>>, vector<400x896xf32>
    %reduce_min3A = arith.constant dense<0x7F800000> : vector<400xf32>
    %reduce_min3A_62 = vector.multi_reduction <minimumf>, %get3A_61, %reduce_min3A [1] : vector<400x896xf32> to vector<400xf32>
    %broadcast_in_dim3A_63 = vector.shape_cast %reduce_min3A_62 : vector<400xf32> to vector<400x1xf32>
    %eq3A = vector.broadcast %broadcast_in_dim3A_63 : vector<400x1xf32> to vector<400x896xf32>
    %eq3A_64 = arith.cmpf oeq, %get3A_61, %eq3A : vector<400x896xf32>
    %jit3A_65 = arith.constant 2147483647 : i32
    %broadcast_in_dim3A_66 = vector.broadcast %jit3A_65 : i32 to vector<400x896xi32>
    %select_n3A_67 = arith.select %eq3A_64, %iota3A_58, %broadcast_in_dim3A_66 : vector<400x896xi1>, vector<400x896xi32>
    %reduce_min3A_68 = arith.constant dense<2147483647> : vector<400xi32>
    %reduce_min3A_69 = vector.multi_reduction <minsi>, %select_n3A_67, %reduce_min3A_68 [1] : vector<400x896xi32> to vector<400xi32>
    %broadcast_in_dim3A_70 = vector.shape_cast %reduce_min3A_69 : vector<400xi32> to vector<400x1xi32>
    %eq3A_71 = vector.broadcast %broadcast_in_dim3A_70 : vector<400x1xi32> to vector<400x896xi32>
    %eq3A_72 = arith.cmpi eq, %iota3A_58, %eq3A_71 : vector<400x896xi32>
    %get3A_73 = arith.constant 0 : index
    %get3A_74 = arith.constant 0 : index
    %get3A_75 = vector.load %arg10[%get3A_73, %get3A_74] : memref<400x896xf32, #tpu.memory_space<vmem>>, vector<400x896xf32>
    %select_n3A_76 = arith.select %eq3A_72, %get3A_75, %get3A_61 : vector<400x896xi1>, vector<400x896xf32>
    %reduce_min3A_77 = arith.constant dense<0x7F800000> : vector<400xf32>
    %reduce_min3A_78 = vector.multi_reduction <minimumf>, %select_n3A_76, %reduce_min3A_77 [1] : vector<400x896xf32> to vector<400xf32>
    %broadcast_in_dim3A_79 = vector.shape_cast %reduce_min3A_78 : vector<400xf32> to vector<400x1xf32>
    %eq3A_80 = vector.broadcast %broadcast_in_dim3A_79 : vector<400x1xf32> to vector<400x896xf32>
    %eq3A_81 = arith.cmpf oeq, %select_n3A_76, %eq3A_80 : vector<400x896xf32>
    %jit3A_82 = arith.constant 2147483647 : i32
    %broadcast_in_dim3A_83 = vector.broadcast %jit3A_82 : i32 to vector<400x896xi32>
    %select_n3A_84 = arith.select %eq3A_81, %iota3A_58, %broadcast_in_dim3A_83 : vector<400x896xi1>, vector<400x896xi32>
    %reduce_min3A_85 = arith.constant dense<2147483647> : vector<400xi32>
    %reduce_min3A_86 = vector.multi_reduction <minsi>, %select_n3A_84, %reduce_min3A_85 [1] : vector<400x896xi32> to vector<400xi32>
    %broadcast_in_dim3A_87 = vector.shape_cast %reduce_min3A_86 : vector<400xi32> to vector<400x1xi32>
    %eq3A_88 = arith.cmpi eq, %broadcast_in_dim3A_87, %broadcast_in_dim3A_70 : vector<400x1xi32>
    %get3A_89 = arith.constant 0 : index
    %get3A_90 = arith.constant 0 : index
    %get3A_91 = vector.load %arg10[%get3A_89, %get3A_90] : memref<400x896xf32, #tpu.memory_space<vmem>>, vector<400x896xf32>
    %jit3A_92 = arith.constant 1.000000e+30 : f32
    %broadcast_in_dim3A_93 = vector.shape_cast %eq3A_88 : vector<400x1xi1> to vector<400x1xi1>
    %broadcast_in_dim3A_94 = vector.broadcast %broadcast_in_dim3A_93 : vector<400x1xi1> to vector<400x896xi1>
    %broadcast_in_dim3A_95 = vector.broadcast %jit3A_92 : f32 to vector<400x896xf32>
    %select_n3A_96 = arith.select %broadcast_in_dim3A_94, %broadcast_in_dim3A_95, %get3A_91 : vector<400x896xi1>, vector<400x896xf32>
    %eq3A_97 = vector.broadcast %broadcast_in_dim3A_87 : vector<400x1xi32> to vector<400x896xi32>
    %eq3A_98 = arith.cmpi eq, %iota3A_58, %eq3A_97 : vector<400x896xi32>
    %select_n3A_99 = arith.select %eq3A_98, %select_n3A_96, %select_n3A_76 : vector<400x896xi1>, vector<400x896xf32>
    %reduce_min3A_100 = arith.constant dense<0x7F800000> : vector<400xf32>
    %reduce_min3A_101 = vector.multi_reduction <minimumf>, %select_n3A_99, %reduce_min3A_100 [1] : vector<400x896xf32> to vector<400xf32>
    %broadcast_in_dim3A_102 = vector.shape_cast %reduce_min3A_101 : vector<400xf32> to vector<400x1xf32>
    %eq3A_103 = vector.broadcast %broadcast_in_dim3A_102 : vector<400x1xf32> to vector<400x896xf32>
    %eq3A_104 = arith.cmpf oeq, %select_n3A_99, %eq3A_103 : vector<400x896xf32>
    %jit3A_105 = arith.constant 2147483647 : i32
    %broadcast_in_dim3A_106 = vector.broadcast %jit3A_105 : i32 to vector<400x896xi32>
    %select_n3A_107 = arith.select %eq3A_104, %iota3A_58, %broadcast_in_dim3A_106 : vector<400x896xi1>, vector<400x896xi32>
    %reduce_min3A_108 = arith.constant dense<2147483647> : vector<400xi32>
    %reduce_min3A_109 = vector.multi_reduction <minsi>, %select_n3A_107, %reduce_min3A_108 [1] : vector<400x896xi32> to vector<400xi32>
    %broadcast_in_dim3A_110 = vector.shape_cast %reduce_min3A_109 : vector<400xi32> to vector<400x1xi32>
    %concatenate3A = tpu.concatenate %broadcast_in_dim3A_63, %broadcast_in_dim3A_79, %broadcast_in_dim3A_102 in 1 : vector<400x1xf32>, vector<400x1xf32>, vector<400x1xf32> -> vector<400x3xf32>
    %bitcast_convert_type3A = tpu.bitcast %concatenate3A : vector<400x3xf32> -> vector<400x3xi32>
    %sub3A_111 = arith.constant 8388608 : i32
    %sub3A_112 = vector.broadcast %sub3A_111 : i32 to vector<400x3xi32>
    %sub3A_113 = arith.subi %bitcast_convert_type3A, %sub3A_112 : vector<400x3xi32>
    %concatenate3A_114 = tpu.concatenate %broadcast_in_dim3A_70, %broadcast_in_dim3A_87, %broadcast_in_dim3A_110 in 1 : vector<400x1xi32>, vector<400x1xi32>, vector<400x1xi32> -> vector<400x3xi32>
    %and3A_115 = arith.constant 31 : i32
    %and3A_116 = vector.broadcast %and3A_115 : i32 to vector<400x3xi32>
    %and3A_117 = arith.andi %sub3A_113, %and3A_116 : vector<400x3xi32>
    %mul3A_118 = arith.constant 896 : i32
    %mul3A_119 = vector.broadcast %mul3A_118 : i32 to vector<400x3xi32>
    %mul3A_120 = arith.muli %and3A_117, %mul3A_119 : vector<400x3xi32>
    %add3A_121 = arith.addi %mul3A_120, %concatenate3A_114 : vector<400x3xi32>
    %swap3A_122 = arith.constant 0 : index
    %swap3A_123 = arith.constant 0 : index
    %swap3A_124 = vector.load %arg6[%swap3A_122, %swap3A_123] : memref<400x3xi32, #tpu.memory_space<vmem>>, vector<400x3xi32>
    tpu.vector_store %arg6[%swap3A_122, %swap3A_123], %add3A_121 {strides = array<i32>} : memref<400x3xi32, #tpu.memory_space<vmem>>, vector<400x3xi32>,
    %and3A_125 = arith.constant -32 : i32
    %and3A_126 = vector.broadcast %and3A_125 : i32 to vector<400x3xi32>
    %and3A_127 = arith.andi %sub3A_113, %and3A_126 : vector<400x3xi32>
    %bitcast_convert_type3A_128 = tpu.bitcast %and3A_127 : vector<400x3xi32> -> vector<400x3xf32>
    %max3A_129 = arith.constant 0.000000e+00 : f32
    %max3A_130 = vector.broadcast %max3A_129 : f32 to vector<400x3xf32>
    %max3A_131 = arith.maximumf %bitcast_convert_type3A_128, %max3A_130 : vector<400x3xf32>
    %add3A_132 = arith.constant 9.99999993E-9 : f32
    %add3A_133 = vector.broadcast %add3A_132 : f32 to vector<400x3xf32>
    %add3A_134 = arith.addf %max3A_131, %add3A_133 : vector<400x3xf32>
    %div3A_135 = arith.constant 1.000000e+00 : f32
    %div3A_136 = vector.broadcast %div3A_135 : f32 to vector<400x3xf32>
    %div3A_137 = arith.divf %div3A_136, %add3A_134 : vector<400x3xf32>
    %reduce_sum3A_138 = arith.constant dense<0.000000e+00> : vector<400xf32>
    %reduce_sum3A_139 = vector.multi_reduction <add>, %div3A_137, %reduce_sum3A_138 [1] : vector<400x3xf32> to vector<400xf32>
    %broadcast_in_dim3A_140 = vector.shape_cast %reduce_sum3A_139 : vector<400xf32> to vector<400x1xf32>
    %div3A_141 = vector.broadcast %broadcast_in_dim3A_140 : vector<400x1xf32> to vector<400x3xf32>
    %div3A_142 = arith.divf %div3A_137, %div3A_141 : vector<400x3xf32>
    %slice3A = vector.extract_strided_slice %div3A_142 {offsets = [0, 0], sizes = [400, 1], strides = [1, 1]} : vector<400x3xf32> to vector<400x1xf32>
    %broadcast_in_dim3A_143 = vector.shape_cast %slice3A : vector<400x1xf32> to vector<400x1xf32>
    %broadcast_in_dim3A_144 = vector.broadcast %broadcast_in_dim3A_143 : vector<400x1xf32> to vector<400x16xf32>
    %slice3A_145 = vector.extract_strided_slice %div3A_142 {offsets = [0, 1], sizes = [400, 1], strides = [1, 1]} : vector<400x3xf32> to vector<400x1xf32>
    %broadcast_in_dim3A_146 = vector.shape_cast %slice3A_145 : vector<400x1xf32> to vector<400x1xf32>
    %broadcast_in_dim3A_147 = vector.broadcast %broadcast_in_dim3A_146 : vector<400x1xf32> to vector<400x16xf32>
    %slice3A_148 = vector.extract_strided_slice %div3A_142 {offsets = [0, 2], sizes = [400, 1], strides = [1, 1]} : vector<400x3xf32> to vector<400x1xf32>
    %broadcast_in_dim3A_149 = vector.shape_cast %slice3A_148 : vector<400x1xf32> to vector<400x1xf32>
    %broadcast_in_dim3A_150 = vector.broadcast %broadcast_in_dim3A_149 : vector<400x1xf32> to vector<400x16xf32>
    %concatenate3A_151 = tpu.concatenate %broadcast_in_dim3A_144, %broadcast_in_dim3A_147, %broadcast_in_dim3A_150 in 1 : vector<400x16xf32>, vector<400x16xf32>, vector<400x16xf32> -> vector<400x48xf32>
    %swap3A_152 = arith.constant 0 : index
    %swap3A_153 = arith.constant 0 : index
    %swap3A_154 = vector.load %arg7[%swap3A_152, %swap3A_153] : memref<400x48xf32, #tpu.memory_space<vmem>>, vector<400x48xf32>
    tpu.vector_store %arg7[%swap3A_152, %swap3A_153], %concatenate3A_151 {strides = array<i32>} : memref<400x48xf32, #tpu.memory_space<vmem>>, vector<400x48xf32>,
    return
  }
  func.func @transform_0(%arg0: i32) -> (i32, i32) {
    %c0_i32 = arith.constant 0 : i32
    %c0_i32_0 = arith.constant 0 : i32
    return %arg0, %c0_i32 : i32, i32
  }
  func.func @transform_1(%arg0: i32) -> (i32, i32) {
    %c0_i32 = arith.constant 0 : i32
    %c0_i32_0 = arith.constant 0 : i32
    return %arg0, %c0_i32 : i32, i32
  }
  func.func @transform_2(%arg0: i32) -> (i32, i32) {
    %c0_i32 = arith.constant 0 : i32
    %c0_i32_0 = arith.constant 0 : i32
    %c0_i32_1 = arith.constant 0 : i32
    return %c0_i32, %c0_i32_0 : i32, i32
  }
  func.func @transform_3(%arg0: i32) -> (i32, i32) {
    %c0_i32 = arith.constant 0 : i32
    %c0_i32_0 = arith.constant 0 : i32
    %c0_i32_1 = arith.constant 0 : i32
    return %c0_i32, %c0_i32_0 : i32, i32
  }
  func.func @transform_4(%arg0: i32) -> (i32, i32) {
    %c0_i32 = arith.constant 0 : i32
    %c0_i32_0 = arith.constant 0 : i32
    %c0_i32_1 = arith.constant 0 : i32
    return %c0_i32, %c0_i32_0 : i32, i32
  }
  func.func @transform_5(%arg0: i32) -> (i32, i32) {
    %c0_i32 = arith.constant 0 : i32
    %c0_i32_0 = arith.constant 0 : i32
    return %arg0, %c0_i32 : i32, i32
  }
  func.func @transform_6(%arg0: i32) -> (i32, i32) {
    %c0_i32 = arith.constant 0 : i32
    %c0_i32_0 = arith.constant 0 : i32
    return %arg0, %c0_i32 : i32, i32
  }
  func.func @transform_7(%arg0: i32) -> (i32, i32) {
    %c0_i32 = arith.constant 0 : i32
    %c0_i32_0 = arith.constant 0 : i32
    return %arg0, %c0_i32 : i32, i32
  }
}

module attributes {stable_mosaic.version = 14 : i64} {
  func.func @_mm_body(%arg0: i32, %arg1: memref<1000x256xf32, #tpu.memory_space<vmem>>, %arg2: memref<256x128xf32, #tpu.memory_space<vmem>>, %arg3: memref<1x128xf32, #tpu.memory_space<vmem>>, %arg4: memref<1000x128xf32, #tpu.memory_space<vmem>>) attributes {dimension_semantics = [#tpu.dimension_semantics<parallel>], iteration_bounds = array<i64: 25>, scalar_prefetch = 0 : i64, scratch_operands = 0 : i64, tpu.core_type = #tpu.core_type<tc>, window_params = [{transform_indices = @transform_0, window_bounds = array<i64: 1000, 256>}, {pipeline_mode = #tpu.pipeline_mode<synchronous>, transform_indices = @transform_1, window_bounds = array<i64: 256, 128>}, {pipeline_mode = #tpu.pipeline_mode<synchronous>, transform_indices = @transform_2, window_bounds = array<i64: 1, 128>}, {transform_indices = @transform_3, window_bounds = array<i64: 1000, 128>}]} {
    %get3A = arith.constant 0 : index
    %get3A_0 = arith.constant 0 : index
    %get3A_1 = vector.load %arg1[%get3A, %get3A_0] : memref<1000x256xf32, #tpu.memory_space<vmem>>, vector<1000x256xf32>
    %get3A_2 = arith.constant 0 : index
    %get3A_3 = arith.constant 0 : index
    %get3A_4 = vector.load %arg2[%get3A_2, %get3A_3] : memref<256x128xf32, #tpu.memory_space<vmem>>, vector<256x128xf32>
    %dot_general3A = arith.constant dense<0.000000e+00> : vector<1000x128xf32>
    %dot_general3A_5 = tpu.matmul %get3A_1, %get3A_4, %dot_general3A {dimension_numbers = #tpu.dot_dimension_numbers<[1], [0], [0], [1], [0, 0, 1, 1], [], []>, transpose_lhs_hint = false} : vector<1000x256xf32>, vector<256x128xf32>, vector<1000x128xf32> -> vector<1000x128xf32>
    %get3A_6 = arith.constant 0 : index
    %get3A_7 = arith.constant 0 : index
    %get3A_8 = vector.load %arg3[%get3A_6, %get3A_7] : memref<1x128xf32, #tpu.memory_space<vmem>>, vector<1x128xf32>
    %add3A = vector.broadcast %get3A_8 : vector<1x128xf32> to vector<1000x128xf32>
    %add3A_9 = arith.addf %dot_general3A_5, %add3A : vector<1000x128xf32>
    %max3A = arith.constant 0.000000e+00 : f32
    %max3A_10 = vector.broadcast %max3A : f32 to vector<1000x128xf32>
    %max3A_11 = arith.maximumf %add3A_9, %max3A_10 : vector<1000x128xf32>
    %swap3A = arith.constant 0 : index
    %swap3A_12 = arith.constant 0 : index
    %swap3A_13 = vector.load %arg4[%swap3A, %swap3A_12] : memref<1000x128xf32, #tpu.memory_space<vmem>>, vector<1000x128xf32>
    tpu.vector_store %arg4[%swap3A, %swap3A_12], %max3A_11 {strides = array<i32>} : memref<1000x128xf32, #tpu.memory_space<vmem>>, vector<1000x128xf32>,
    return
  }
  func.func @transform_0(%arg0: i32) -> (i32, i32) {
    %c0_i32 = arith.constant 0 : i32
    %c0_i32_0 = arith.constant 0 : i32
    return %arg0, %c0_i32 : i32, i32
  }
  func.func @transform_1(%arg0: i32) -> (i32, i32) {
    %c0_i32 = arith.constant 0 : i32
    %c0_i32_0 = arith.constant 0 : i32
    %c0_i32_1 = arith.constant 0 : i32
    return %c0_i32, %c0_i32_0 : i32, i32
  }
  func.func @transform_2(%arg0: i32) -> (i32, i32) {
    %c0_i32 = arith.constant 0 : i32
    %c0_i32_0 = arith.constant 0 : i32
    %c0_i32_1 = arith.constant 0 : i32
    return %c0_i32, %c0_i32_0 : i32, i32
  }
  func.func @transform_3(%arg0: i32) -> (i32, i32) {
    %c0_i32 = arith.constant 0 : i32
    %c0_i32_0 = arith.constant 0 : i32
    return %arg0, %c0_i32 : i32, i32
  }
}

</mosaic_0001>

<sc_bundles>
// kernel: kernel.10.cloned.1.call-start
scs
__scs_entry_jumppad:
0x0: {  	(pc) =	sbr.rel $0x88, $3  }
0x1: {  	(tag) =	ssettag $0x0;
	lr =	simm.s32 $0x1  }
0x2: {  	[smem:$0x3F95] =	sst lr;
	_ =	strace $0xD0000000  }
0x3: {  	_ = 	snop  }
0x4: {  	_ = 	snop  }
0x5: {  	_ = 	snop  }
0x6: {  	_ = 	snop  }
0x7: {  	_ = 	snop  }
__scs_overlays_trampoline_lowered:
0x8: {  	[smem:$0x3FA4] =	sst s0  }
0x9: {  	[smem:$0x3FA5] =	sst s1  }
0xa: {  	[smem:$0x3FA6] =	sst s2  }
0xb: {  	[smem:$0x3FA7] =	sst s3  }
0xc: {  	[smem:$0x3FA8] =	sst s4  }
0xd: {  	[smem:$0x3FA9] =	sst s5  }
0xe: {  	[smem:$0x3FAA] =	sst s6  }
0xf: {  	[smem:$0x3FAB] =	sst s7  }
0x10: {  	[smem:$0x3FAC] =	sst s8  }
0x11: {  	[smem:$0x3FAD] =	sst s9;
	s0 =	simm.s32 @!p0 $0x0  }
0x12: {  	s1 =	sld [smem:$0x3F93];
	s0 =	simm.s32 @p0 $0x1  }
0x13: {  	[smem:$0x3FAE] =	sst s0;
	s0 =	simm.s32 @!p1 $0x0  }
0x14: {  	s2 =	sld [smem:$0x3F92];
	s0 =	simm.s32 @p1 $0x1  }
0x15: {  	[smem:$0x3FAF] =	sst s0;
	s0 =	simm.s32 @!p2 $0x0  }
0x16: {  	s3 =	sld [smem:$0x3FDB];
	s0 =	simm.s32 @p2 $0x1  }
0x17: {  	s4 =	simm.s32 $0x1BF5;
	[smem:$0x3FB1] =	sst s0  }
0x18: {  	s0 =	sld [smem:$0x3F94];
	_ =	swait.ge [sflag:s4], $0x0  }
0x19: {  	s7 =	sld [smem:$0x3F95]  }
0x1a: {  	s8 =	sadd.s32 $0xFFFFE003, lr  }
0x1b: {  	s9 =	sadd.s32 $0xFFFFFEF7, lr;
	s5 =	simm.s32 $0xFFFFFFFF;
	p2 =	slt.u32 s8, $0xFFFFF086  }
0x1c: {  	p1 =	slt.u32 s9, $0xF7A;
	s5 =	simm.s32 @!p2 $0x0  }
0x1d: {  	s5 =	simm.s32 @p1 $0x1;
	p0 =	seq.s32 s7, s2  }
0x1e: {  	s7 =	smul.u32 @!p0 $0xF7A, s2;
	p2 =	seq.s32 @!p0 s5, $0x0  }
0x1f: {  	s9 =	smul.u32 $0xF7A, s1;
	s8 =	simm.s32 @!p0 $0x1BF5;
	p2 =	por !p2, p0  }
0x20: {  	[sflag:s8] =	ssyncset.s32 @!p0 $0xFFFFF086;
	s6 =	sadd.s32 @!p0 s3, s7;
	s7 =	simm.s32 @!p0 $0x108  }
0x21: {  	s3 =	sadd.s32 s3, s9;
	s6 =	sadd.s32 @!p0 $0x88, s6;
	s7 =	simm.s32 @p2 $0x1082  }
0x22: {  	[simem:s7], [sflag:s8] =	dma.local @!p0 [hbm:s6], $0xF7A  }
0x23: {  	s9 =	sor.u32 $0xD0000000, s2;
	s6 =	simm.s32 $0x108;
	_ =	swait.ge @!p0 [sflag:s8], $0x0  }
0x24: {  	s3 =	sadd.s32 $0x88, s3;
	s6 =	simm.s32 @!p1 $0x1082;
	[sflag:s4] =	ssyncset.s32 $0xFFFFF086  }
0x25: {  	[simem:s6], [sflag:s4] =	dma.local [hbm:s3], $0xF7A  }
0x26: {  	[smem:$0x3F95] =	sst s1;
	(tag) =	ssettag s2;
	_ =	strace s9  }
0x27: {  	s1 =	sld [smem:$0x3FA5]  }
0x28: {  	s2 =	sld [smem:$0x3FA6]  }
0x29: {  	s4 =	sld [smem:$0x3FA8]  }
0x2a: {  	p0 =	seq.s32 s5, $0x0;
	s5 =	sld [smem:$0x3FA9]  }
0x2b: {  	s6 =	sld [smem:$0x3FAA]  }
0x2c: {  	s7 =	sld [smem:$0x3FAB]  }
0x2d: {  	s3 =	simm.s32 $0x108;
	s8 =	sld [smem:$0x3FAC]  }
0x2e: {  	s3 =	simm.s32 @!p0 $0x1082;
	s9 =	sld [smem:$0x3FAD]  }
0x2f: {  	lr =	sadd.s32 s0, s3;
	s0 =	sld [smem:$0x3FA4]  }
0x30: {  	s3 =	sld [smem:$0x3FA7]  }
0x31: {  	[smem:$0x3FB0] =	sst s10  }
0x32: {  	s10 =	sld [smem:$0x3FAE];
	_ =	sdelay $0x3  }
0x33: {  	p0 =	seq.s32 s10, $0x1;
	s10 =	sld [smem:$0x3FB0];
	_ =	sdelay $0x3  }
0x34: {  	[smem:$0x3FB0] =	sst s10  }
0x35: {  	s10 =	sld [smem:$0x3FAF];
	_ =	sdelay $0x3  }
0x36: {  	p1 =	seq.s32 s10, $0x1;
	s10 =	sld [smem:$0x3FB0];
	_ =	sdelay $0x3  }
0x37: {  	[smem:$0x3FB0] =	sst s10  }
0x38: {  	s10 =	sld [smem:$0x3FB1]  }
0x39: {  	_ = 	snop;
	(pc) =	sbr.ind lr, $3  }
0x3a: {  	_ = 	snop  }
0x3b: {  	_ = 	snop  }
0x3c: {  	p2 =	seq.s32 s10, $0x1;
	s10 =	sld [smem:$0x3FB0]  }
0x3d: {  	_ =	shalt  }
0x3e: {  	_ =	shalt  }
0x3f: {  	_ =	shalt  }
0x40: {  	_ =	shalt  }
0x41: {  	_ =	shalt  }
0x42: {  	_ =	shalt  }
0x43: {  	_ =	shalt  }
0x44: {  	_ =	shalt  }
0x45: {  	_ =	shalt  }
0x46: {  	_ =	shalt  }
0x47: {  	_ =	shalt  }
0x48: {  	_ =	shalt  }
0x49: {  	_ =	shalt  }
0x4a: {  	_ =	shalt  }
0x4b: {  	_ =	shalt  }
0x4c: {  	_ =	shalt  }
0x4d: {  	_ =	shalt  }
0x4e: {  	_ =	shalt  }
0x4f: {  	_ =	shalt  }
0x50: {  	_ =	shalt  }
0x51: {  	_ =	shalt  }
0x52: {  	_ =	shalt  }
0x53: {  	_ =	shalt  }
0x54: {  	_ =	shalt  }
0x55: {  	_ =	shalt  }
0x56: {  	_ =	shalt  }
0x57: {  	_ =	shalt  }
0x58: {  	_ =	shalt  }
0x59: {  	_ =	shalt  }
0x5a: {  	_ =	shalt  }
0x5b: {  	_ =	shalt  }
0x5c: {  	_ =	shalt  }
0x5d: {  	_ =	shalt  }
0x5e: {  	_ =	shalt  }
0x5f: {  	_ =	shalt  }
0x60: {  	_ =	shalt  }
0x61: {  	_ =	shalt  }
0x62: {  	_ =	shalt  }
0x63: {  	_ =	shalt  }
0x64: {  	_ =	shalt  }
0x65: {  	_ =	shalt  }
0x66: {  	_ =	shalt  }
0x67: {  	_ =	shalt  }
0x68: {  	_ =	shalt  }
0x69: {  	_ =	shalt  }
0x6a: {  	_ =	shalt  }
0x6b: {  	_ =	shalt  }
0x6c: {  	_ =	shalt  }
0x6d: {  	_ =	shalt  }
0x6e: {  	_ =	shalt  }
0x6f: {  	_ =	shalt  }
0x70: {  	_ =	shalt  }
0x71: {  	_ =	shalt  }
0x72: {  	_ =	shalt  }
0x73: {  	_ =	shalt  }
0x74: {  	_ =	shalt  }
0x75: {  	_ =	shalt  }
0x76: {  	_ =	shalt  }
0x77: {  	_ =	shalt  }
0x78: {  	_ =	shalt  }
0x79: {  	_ =	shalt  }
0x7a: {  	_ =	shalt  }
0x7b: {  	_ =	shalt  }
0x7c: {  	_ =	shalt  }
0x7d: {  	_ =	shalt  }
0x7e: {  	_ =	shalt  }
0x7f: {  	_ =	shalt  }
0x80: {  	_ =	shalt  }
0x81: {  	_ =	shalt  }
0x82: {  	_ =	shalt  }
0x83: {  	_ =	shalt  }
0x84: {  	_ =	shalt  }
0x85: {  	_ =	shalt  }
0x86: {  	_ =	shalt  }
0x87: {  	_ =	shalt  }
.Lfunc_end0:
.L_simem_size_0:
called_computation.1_lowered:
.L_overlay_start_0:
0x88: {  	s2 =	sld [smem:$0x3FD9]  }
0x89: {  	s3 =	sld [smem:$0x3FFE];
	_ =	sdelay $0x1  }
0x8a: {  	s1 =	srdreg.scid  }
0x8b: {  	s0 =	sand.u32 $0x1, s1  }
0x8c: {  	s17 =	sshll.u32 s0, $0xA;
	s2 =	sadd.s32 s3, s2  }
0x8d: {  	s2 =	sadd.s32 s2, s17  }
0x8e: {  	[smem:$0x3FBC] =	sst s2  }
0x8f: {  	_ = 	snop  }
0x90: {  	s18 =	sld [smem:$0x3FD0];
	(tm) =	ssettm $0x1  }
0x91: {  	s19 =	sld [smem:$0x3FFB];
	_ =	sdelay $0x3  }
0x92: {  	_ =	strace s19  }
0x93: {  	s2 =	sld [smem:$0x3FFC];
	_ =	sdelay $0x3  }
0x94: {  	_ =	strace s2  }
0x95: {  	s2 =	sld [smem:$0x3FFD];
	_ =	sdelay $0x3  }
0x96: {  	_ =	strace s2  }
0x97: {  	_ =	strace $0x8FFFFFFF  }
0x98: {  	s20 =	sld [smem:$0x3FDB];
	_ =	sdelay $0x1  }
0x99: {  	s4 =	simm.s32 $_scs_section_size  }
0x9a: {  	s5 =	simm.s32 $_size__tile_overlayer_lowered;
	s6 =	simm.s32 $_tile_overlayer_lowered  }
0x9b: {  	s7 =	simm.s32 $0x1BFF;
	s21 =	sshll.u32 s6, $0x1;
	s4 =	sadd.s32 s4, s20  }
0x9c: {  	s22 =	simm.s32 $0x0;
	s5 =	sshll.u32 s5, $0x1;
	s6 =	sadd.s32 s21, s4  }
0x9d: {  	[timem:s22], [sflag:s7] =	dma.local [hbm:s6], s5  }
0x9e: {  	_ =	swait.ge [sflag:s7], s5  }
0x9f: {  	s5 =	ssub.s32 $0x0, s5;
	[sflag:s7] =	ssyncset.done $0x0  }
0xa0: {  	[sflag:s7] =	ssyncadd.s32 s5;
	_ =	sdelay $0x1  }
0xa1: {  	s23 =	simm.s32 $0x1B8B  }
0xa2: {  	_ =	swait.ge [sflag:s23], $0x1  }
0xa3: {  	[sflag:s23] =	ssyncset.done $0x0  }
0xa4: {  	[sflag:s23] =	ssyncadd.s32 $0xFFFFFFFF  }
0xa5: {  	s5 =	sld [smem:$0x0]  }
0xa6: {  	s6 =	sand.u32 $0xFFFFFFFE, s1  }
0xa7: {  	p0 =	sne.s32 s1, s6  }
0xa8: {  	s6 =	sshll.u32 @p0 s6, $0xE  }
0xa9: {  	s6 =	sadd.s32 @p0 $0x11B8D, s6;
	s7 =	sshll.u32 @p0 s5, $0x11  }
0xaa: {  	s6 =	sor.u32 @p0 s7, s6  }
0xab: {  	[sflag:s6] =	ssyncadd.remote.s32 @p0 $0x1;
	_ =	sdelay $0x1  }
0xac: {  	s6 =	simm.s32 @p0 $0x1B8D  }
0xad: {  	_ =	swait.eq @p0 [sflag:s6], $0x1  }
0xae: {  	[sflag:s6] =	ssyncadd.s32 @p0 $0xFFFFFFFF  }
0xaf: {  	s7 =	sshll.u32 @!p0 s1, $0xE  }
0xb0: {  	s7 =	sor.u32 @!p0 $0x4000, s7;
	s6 =	simm.s32 @!p0 $0x1B8D  }
0xb1: {  	s5 =	sshll.u32 @!p0 s5, $0x11;
	s7 =	sadd.s32 @!p0 $0x11B8D, s7;
	_ =	swait.eq @!p0 [sflag:s6], $0x1  }
0xb2: {  	s5 =	sor.u32 @!p0 s5, s7;
	[sflag:s6] =	ssyncadd.s32 @!p0 $0xFFFFFFFF  }
0xb3: {  	s25 =	simm.s32 $0x1B8E;
	s24 =	sld [smem:$0x3FFE];
	[sflag:s5] =	ssyncadd.remote.s32 @!p0 $0x1  }
0xb4: {  	s26 =	simm.s32 $execute0_lowered;
	[smem:$0x3FD2] =	sst s25  }
0xb5: {  	s6 =	sshll.u32 s26, $0x1;
	_ =	strace $0x80000049;
	[dreg:$0x1] =	wrdreg $0xFFFFFFFF  }
0xb6: {  	s28 =	simm.s32 $_size_execute0_lowered;
	s4 =	sadd.s32 s4, s6;
	[dreg:$0x0] =	wrdreg $0x0  }
0xb7: {  	s6 =	sshll.u32 s28, $0x1;
	[dreg:$0x2] =	wrdreg s4  }
0xb8: {  	[dreg:$0x3] =	wrdreg s6  }
0xb9: {  	[dreg:$0x4] =	wrdreg $0xC0  }
0xba: {  	_ =	task [dreg:s22], $0x5FFFF  }
0xbb: {  	[dreg:$0x1] =	wrdreg $0xFFFFFFFF  }
0xbc: {  	[dreg:$0x0] =	wrdreg $0x60  }
0xbd: {  	[dreg:$0x2] =	wrdreg s24  }
0xbe: {  	[dreg:$0x3] =	wrdreg s18  }
0xbf: {  	[dreg:$0x4] =	wrdreg $0xA  }
0xc0: {  	_ =	task.clear_ibuf [dreg:s22], $0x5FFFF;
	_ =	strace $0x90000049  }
0xc1: {  	s29 =	simm.s32 $0xA;
	_ =	strace $0x8000004B  }
0xc2: {  	_ =	swait.ge [sflag:s29], $0x1  }
0xc3: {  	[sflag:s29] =	ssyncadd.s32 $0xFFFFFFFF  }
0xc4: {  	_ =	strace $0x9000004B  }
0xc5: {  	_ =	sfence  }
0xc6: {  	s30 =	sld [smem:$0x0];
	_ =	sdelay $0x2  }
0xc7: {  	s31 =	sshll.u32 s1, $0xD;
	s1 =	sshrl.u32 s1, $0x2  }
0xc8: {  	s4 =	sand.u32 $0x4000, s31;
	s1 =	sadd.s32 s1, s30  }
0xc9: {  	s0 =	sor.u32 s4, s0;
	s1 =	sshll.u32 s1, $0x11  }
0xca: {  	s0 =	sor.u32 s1, s0  }
0xcb: {  	s0 =	sadd.s32 $0x8F2B, s0  }
0xcc: {  	[sflag:s0] =	ssyncadd.remote.s32 $0x1  }
0xcd: {  	_ =	sfence.sel $0xFFFF  }
0xce: {  	[dreg:$0x0] =	wrdreg $0xFFFFFFFF;
	(pc) =	sbr.abs _section_cstart, $3  }
0xcf: {  	[dreg:$0x1] =	wrdreg $0xFFFFFFFF  }
0xd0: {  	_ =	task.clear_ibuf [dreg:s22], $0x2FFFF;
	_ =	strace $0x9FFFFFFF  }
0xd1: {  	(tm) =	ssettm $0x7FFFFFFF  }
tec
execute0_lowered:
.L_overlay_start_1:
0x0: {  	(tag) =	ssettag $0x1  }
0x1: {  	s9 =	rddreg [dreg:$0x0]  }
0x2: {  	s1 =	rddreg [dreg:$0x1]  }
0x3: {  	s0 =	rddreg [dreg:$0x2];
	s2 =	simm.s32 $0x0  }
0x4: {  	s3 =	srdreg.scid;
	s14 =	simm.s32 $0x100;
	s15 =	simm.s32 $0x70  }
0x5: {  	s16 =	simm.s32 $0x3980;
	s17 =	simm.s32 $0x7180;
	s18 =	simm.s32 $0xA980  }
0x6: {  	s19 =	simm.s32 $0x180;
	s20 =	simm.s32 $0xE180;
	s21 =	simm.s32 $0x1  }
0x7: {  	s22 =	simm.s32 $0x11980;
	s23 =	simm.s32 $0x0;
	[smem:$0x7FF] =	sst s2  }
0x8: {  	s4 =	sadd.s32 $0xD3C00, s9;
	s5 =	sadd.s32 $0x138C00, s9;
	s10 =	sand.u32 $0x1, s3  }
0x9: {  	s6 =	sadd.s32 $0x135800, s9;
	s3 =	stileid.u32;
	s7 =	sadd.s32 $0x137200, s9  }
0xa: {  	s8 =	sadd.s32 $0x5600, s9;
	s9 =	sadd.s32 $0x4A4200, s9;
	s11 =	ssub.s32 $0x2, s10  }
0xb: {  	_ =	strace $0x8000004A;
	s13 =	sshll.u32 s3, $0x1;
	s12 =	sshrl.u32 s11, $0x1  }
0xc: {  	s10 =	sor.u32 s10, s13;
	s13 =	simm.s32 $0x80;
	s11 =	ssub.s32 s11, s12  }
0xd: {  	s10 =	smul.u32 $0x620, s10;
	s12 =	simm.s32 $0x2;
	s11 =	smax.u32 s11, $0x1  }
.LBB2_1:
0xe: {  	s24 =	simm.s32 $0x0  }
.LBB2_2:
0xf: {  	s25 =	smul.u32 $0x70, s24;
	_ =	sdelay $0x1  }
0x10: {  	s25 =	sadd.s32 s10, s25  }
0x11: {  	s26 =	sshrl.u32 s25, $0x3  }
0x12: {  	s29 =	simm.s32 $0x0;
	s28 =	sadd.s32 s5, s26  }
0x13: {  	[tilespmem:s29], [sflag:$0x2] =	stream.linear.gather [hbm4b:s28+s29], $0x70, $0x38;
	[tilespmem:$0x15180] =	vst v63  }
0x14: {  	_ =	swait.ge [sflag:s12], $0x70  }
0x15: {  	[sflag:s12] =	ssyncset.done $0x0  }
0x16: {  	s28 =	sadd.s32 s6, s26;
	[sflag:s12] =	ssyncadd.s32 $0xFFFFFF90  }
0x17: {  	[tilespmem:s13], [sflag:$0x2] =	stream.linear.gather [hbm4b:s28+s29], $0x70, $0x38;
	[tilespmem:$0x15180] =	vst v63  }
0x18: {  	_ =	swait.ge [sflag:s12], $0x70  }
0x19: {  	[sflag:s12] =	ssyncset.done $0x0  }
0x1a: {  	s26 =	sadd.s32 s7, s26;
	[sflag:s12] =	ssyncadd.s32 $0xFFFFFF90  }
0x1b: {  	[tilespmem:s14], [sflag:$0x2] =	stream.linear.gather [hbm4b:s26+s29], $0x70, $0x38;
	[tilespmem:$0x15180] =	vst v63  }
0x1c: {  	_ =	swait.ge [sflag:s12], $0x70  }
0x1d: {  	[sflag:s12] =	ssyncset.done $0x0  }
0x1e: {  	[sflag:s12] =	ssyncadd.s32 $0xFFFFFF90  }
0x1f: {  	[tilespmem:s16], [sflag:$0x1] =	stream.indirect.gather [hbm4b:s4+s15], $0x80, s29, s15, $0xb8;
	[tilespmem:$0x15180] =	vst v63  }
0x20: {  	_ = 	snop  }
0x21: {  	[tilespmem:s17], [sflag:$0x1] =	stream.indirect.gather [hbm4b:s4+s15], $0x80, s13, s15, $0xb8;
	[tilespmem:$0x15180] =	vst v63  }
0x22: {  	s25 =	sshll.u32 s25, $0x4  }
0x23: {  	[tilespmem:s18], [sflag:$0x1] =	stream.indirect.gather [hbm4b:s4+s15], $0x80, s14, s15, $0xb8;
	[tilespmem:$0x15180] =	vst v63  }
0x24: {  	s30 =	sadd.s32 s8, s25  }
0x25: {  	[tilespmem:s19], [sflag:$0x2] =	stream.linear.gather [hbm4b:s30+s29], $0x3800, $0x38;
	[tilespmem:$0x15180] =	vst v63  }
0x26: {  	_ =	swait.ge [sflag:s12], $0x3800  }
0x27: {  	[sflag:s12] =	ssyncset.done $0x0  }
0x28: {  	s31 =	sadd.s32 s1, s25;
	[sflag:s12] =	ssyncadd.s32 $0xFFFFC800  }
0x29: {  	[tilespmem:s20], [sflag:$0x2] =	stream.linear.gather [hbm4b:s31+s29], $0x3800, $0x38;
	[tilespmem:$0x15180] =	vst v63  }
0x2a: {  	_ =	swait.ge [sflag:s12], $0x3800  }
0x2b: {  	[sflag:s12] =	ssyncset.done $0x0  }
0x2c: {  	[sflag:s12] =	ssyncadd.s32 $0xFFFFC800  }
0x2d: {  	_ =	swait.ge [sflag:s21], $0x3800  }
0x2e: {  	[sflag:s21] =	ssyncset.done $0x0  }
0x2f: {  	[sflag:s21] =	ssyncadd.s32 $0xFFFFC800  }
0x30: {  	_ =	swait.ge [sflag:s21], $0x3800  }
0x31: {  	[sflag:s21] =	ssyncset.done $0x0  }
0x32: {  	[sflag:s21] =	ssyncadd.s32 $0xFFFFC800  }
0x33: {  	_ =	swait.ge [sflag:s21], $0x3800  }
0x34: {  	[sflag:s21] =	ssyncset.done $0x0  }
0x35: {  	s26 =	simm.s32 $0x0;
	[sflag:s21] =	ssyncadd.s32 $0xFFFFC800  }
0x36: {  	v1 =	vld [tilespmem:s26+$0x190]  }
0x37: {  	v2 =	vld [tilespmem:s26+$0x180]  }
0x38: {  	v3 =	vld [tilespmem:s26+$0x39F0]  }
0x39: {  	v4 =	vld [tilespmem:s26+$0xE1F0]  }
0x3a: {  	v5 =	vld [tilespmem:s26+$0x71F0]  }
0x3b: {  	v0 =	vld [tilespmem:s26+$0x1A0]  }
0x3c: {  	v6 =	vld [tilespmem:s26+$0xA9F0]  }
0x3d: {  	v7 =	vld [tilespmem:s26+$0x3980]  }
0x3e: {  	v8 =	vld [tilespmem:s26+$0x3990]  }
0x3f: {  	v9 =	vld [tilespmem:s26+$0x39A0]  }
0x40: {  	v10 =	vld [tilespmem:s26+$0x39C0]  }
0x41: {  	v11 =	vld [tilespmem:s26+$0x39E0]  }
0x42: {  	v12 =	vld [tilespmem:s26+$0x7180]  }
0x43: {  	v13 =	vld [tilespmem:s26+$0x7190]  }
0x44: {  	v14 =	vld [tilespmem:s26+$0xE1A0];
	v3 =	vmul.f32 v3, v2  }
0x45: {  	v15 =	vld [tilespmem:s26+$0x71A0]  }
0x46: {  	v16 =	vld [tilespmem:s26+$0xE1B0];
	v3 =	vadd.f32 v3, v4;
	v4 =	vmul.f32 v5, v1  }
0x47: {  	v17 =	vld [tilespmem:s26+$0x71B0]  }
0x48: {  	v18 =	vld [tilespmem:s26+$0xE1C0];
	v3 =	vadd.f32 v4, v3;
	v4 =	vmul.f32 v6, v0  }
0x49: {  	v19 =	vld [tilespmem:s26+$0x71C0]  }
0x4a: {  	v3 =	vadd.f32 v4, v3;
	v4 =	vld [tilespmem:s26+$0xE180]  }
0x4b: {  	v5 =	vld [tilespmem:s26+$0x39B0]  }
0x4c: {  	v20 =	vld [tilespmem:s26+$0xE1D0]  }
0x4d: {  	v7 =	vmul.f32 v7, v2;
	v6 =	vld [tilespmem:s26+$0x39D0]  }
0x4e: {  	[tilespmem:s26+$0x119F0] =	vst v3;
	v3 =	vld [tilespmem:s26+$0xE190]  }
0x4f: {  	v21 =	vld [tilespmem:s26+$0xE1E0];
	v10 =	vmul.f32 v10, v2;
	v4 =	vadd.f32 v7, v4;
	v7 =	vmul.f32 v12, v1  }
0x50: {  	v8 =	vmul.f32 v8, v2;
	v5 =	vmul.f32 v5, v2;
	v12 =	vld [tilespmem:s26+$0x71D0]  }
0x51: {  	v9 =	vmul.f32 v9, v2;
	v10 =	vadd.f32 v10, v18;
	v22 =	vadd.f32 v7, v4;
	v7 =	vld [tilespmem:s26+$0x71E0]  }
0x52: {  	v5 =	vadd.f32 v5, v16;
	v6 =	vmul.f32 v6, v2;
	v4 =	vmul.f32 v13, v1;
	v13 =	vld [tilespmem:s26+$0xA980]  }
0x53: {  	v3 =	vadd.f32 v8, v3;
	v8 =	vadd.f32 v9, v14;
	v9 =	vmul.f32 v15, v1;
	v15 =	vld [tilespmem:s26+$0xA990]  }
0x54: {  	v62 =	vld [tilespmem:s26+$0xA9A0];
	v2 =	vmul.f32 v11, v2;
	v11 =	vadd.f32 v6, v20;
	v14 =	vmul.f32 v17, v1  }
0x55: {  	v63 =	vld [tilespmem:s26+$0xA9B0];
	v61 =	vadd.f32 v4, v3;
	v3 =	vadd.f32 v9, v8  }
0x56: {  	v4 =	vadd.f32 v14, v5;
	v5 =	vmul.f32 v19, v1;
	v8 =	vld [tilespmem:s26+$0xA9C0];
	v12 =	vmul.f32 v12, v1  }
0x57: {  	v2 =	vadd.f32 v2, v21;
	v9 =	vld [tilespmem:s26+$0xA9D0];
	v1 =	vmul.f32 v7, v1;
	v13 =	vmul.f32 v13, v0  }
0x58: {  	s28 =	simm.s32 $0x80;
	v6 =	vadd.f32 v5, v10;
	v10 =	vld [tilespmem:s26+$0xA9E0];
	v5 =	vadd.f32 v12, v11;
	v12 =	vmul.f32 v15, v0  }
0x59: {  	v11 =	vmul.f32 v62, v0;
	v7 =	vadd.f32 v1, v2;
	v1 =	vld [tilespmem:s28+$0x190];
	v13 =	vadd.f32 v13, v22  }
0x5a: {  	s29 =	simm.s32 $0x400;
	v2 =	vld [tilespmem:s28+$0x180];
	v14 =	vadd.f32 v12, v61;
	v12 =	vmul.f32 v63, v0  }
.LBB2_3:
0x5b: {  	p0 =	sne.s32 s29, $0xDE00;
	v15 =	vld [tilespmem:s28+$0x39F0];
	[tilespmem:s26+$0x11980] =	vst v13;
	v3 =	vadd.f32 v11, v3;
	v8 =	vmul.f32 v8, v0  }
0x5c: {  	v11 =	vld [tilespmem:s28+$0xE1F0];
	[tilespmem:s26+$0x11990] =	vst v14;
	v4 =	vadd.f32 v12, v4;
	v9 =	vmul.f32 v9, v0  }
0x5d: {  	v12 =	vld [tilespmem:s28+$0x71F0];
	[tilespmem:s26+$0x119A0] =	vst v3;
	v3 =	vadd.f32 v8, v6;
	v6 =	vmul.f32 v10, v0  }
0x5e: {  	v0 =	vld [tilespmem:s28+$0x1A0];
	[tilespmem:s26+$0x119B0] =	vst v4;
	v4 =	vadd.f32 v9, v5  }
0x5f: {  	v5 =	vld [tilespmem:s28+$0xA9F0];
	[tilespmem:s26+$0x119C0] =	vst v3;
	v3 =	vadd.f32 v6, v7  }
0x60: {  	v6 =	vld [tilespmem:s28+$0x3980];
	v7 =	vmul.f32 v15, v2;
	[tilespmem:s26+$0x119D0] =	vst v4  }
0x61: {  	v4 =	vld [tilespmem:s28+$0x3990];
	[tilespmem:s26+$0x119E0] =	vst v3;
	s26 =	smov.u32 s28  }
0x62: {  	v3 =	vld [tilespmem:s26+$0x39A0];
	v7 =	vadd.f32 v7, v11;
	v8 =	vmul.f32 v12, v1  }
0x63: {  	v9 =	vld [tilespmem:s26+$0x39B0]  }
0x64: {  	v10 =	vld [tilespmem:s26+$0x39C0];
	v7 =	vadd.f32 v8, v7;
	v5 =	vmul.f32 v5, v0  }
0x65: {  	v6 =	vmul.f32 v6, v2;
	v8 =	vld [tilespmem:s26+$0x39D0]  }
0x66: {  	v4 =	vmul.f32 v4, v2;
	v11 =	vld [tilespmem:s26+$0x39E0];
	v5 =	vadd.f32 v5, v7  }
0x67: {  	v7 =	vld [tilespmem:s26+$0xE180];
	v3 =	vmul.f32 v3, v2  }
0x68: {  	v12 =	vld [tilespmem:s26+$0x7180];
	v9 =	vmul.f32 v9, v2;
	[tilespmem:s26+$0x119F0] =	vst v5  }
0x69: {  	v5 =	vld [tilespmem:s26+$0xE190];
	v10 =	vmul.f32 v10, v2  }
0x6a: {  	v13 =	vld [tilespmem:s26+$0x7190];
	v8 =	vmul.f32 v8, v2  }
0x6b: {  	v14 =	vld [tilespmem:s26+$0xE1A0];
	v2 =	vmul.f32 v11, v2  }
0x6c: {  	v6 =	vadd.f32 v6, v7;
	v7 =	vld [tilespmem:s26+$0x71A0]  }
0x6d: {  	v11 =	vmul.f32 v12, v1;
	v12 =	vld [tilespmem:s26+$0xE1B0]  }
0x6e: {  	v4 =	vadd.f32 v4, v5;
	v5 =	vld [tilespmem:s26+$0x71B0]  }
0x6f: {  	v11 =	vadd.f32 v11, v6;
	v6 =	vmul.f32 v13, v1;
	v13 =	vld [tilespmem:s26+$0xE1C0]  }
0x70: {  	v3 =	vadd.f32 v3, v14;
	v14 =	vld [tilespmem:s26+$0x71C0]  }
0x71: {  	v15 =	vadd.f32 v6, v4;
	v4 =	vmul.f32 v7, v1;
	v6 =	vld [tilespmem:s26+$0xE1D0]  }
0x72: {  	v7 =	vadd.f32 v9, v12;
	v9 =	vld [tilespmem:s26+$0x71D0]  }
0x73: {  	v3 =	vadd.f32 v4, v3;
	v4 =	vmul.f32 v5, v1;
	v5 =	vld [tilespmem:s26+$0xE1E0]  }
0x74: {  	v10 =	vadd.f32 v10, v13;
	v12 =	vld [tilespmem:s26+$0x71E0]  }
0x75: {  	v13 =	vld [tilespmem:s26+$0xA980];
	v4 =	vadd.f32 v4, v7;
	v7 =	vmul.f32 v14, v1  }
0x76: {  	v14 =	vld [tilespmem:s26+$0xA990];
	v16 =	vadd.f32 v8, v6  }
0x77: {  	v17 =	vld [tilespmem:s26+$0xA9A0];
	v6 =	vadd.f32 v7, v10;
	v7 =	vmul.f32 v9, v1  }
0x78: {  	v18 =	vld [tilespmem:s26+$0xA9B0];
	v2 =	vadd.f32 v2, v5  }
.Ltmp0:
0x79: {  	v8 =	vld [tilespmem:s26+$0xA9C0];
	v5 =	vadd.f32 v7, v16;
	v1 =	vmul.f32 v12, v1;
	(pc) =	sbr.rel @p0 .LBB2_3-.Ltmp0, $4  }
0x7a: {  	v12 =	vmul.f32 v13, v0;
	v9 =	vld [tilespmem:s26+$0xA9D0]  }
0x7b: {  	s28 =	sshra.s32 s29, $0x2;
	v14 =	vmul.f32 v14, v0;
	v7 =	vadd.f32 v1, v2;
	v10 =	vld [tilespmem:s26+$0xA9E0]  }
0x7c: {  	v1 =	vld [tilespmem:s28+$0x190];
	v13 =	vadd.f32 v12, v11;
	v11 =	vmul.f32 v17, v0  }
0x7d: {  	s29 =	sadd.s32 $0x200, s29;
	v2 =	vld [tilespmem:s28+$0x180];
	v14 =	vadd.f32 v14, v15;
	v12 =	vmul.f32 v18, v0  }
0x7e: {  	v15 =	vld [tilespmem:s28+$0x39F0];
	[tilespmem:s26+$0x11980] =	vst v13;
	v3 =	vadd.f32 v11, v3;
	v8 =	vmul.f32 v8, v0  }
0x7f: {  	v13 =	vld [tilespmem:s28+$0xE1F0];
	[tilespmem:s26+$0x11990] =	vst v14;
	v4 =	vadd.f32 v12, v4;
	v9 =	vmul.f32 v9, v0  }
0x80: {  	v27 =	vld [tilespmem:s28+$0x71F0];
	[tilespmem:s26+$0x119A0] =	vst v3;
	v6 =	vadd.f32 v8, v6;
	v28 =	vmul.f32 v10, v0  }
0x81: {  	v3 =	vld [tilespmem:s28+$0x1A0];
	[tilespmem:s26+$0x119B0] =	vst v4;
	v5 =	vadd.f32 v9, v5  }
0x82: {  	v4 =	vld [tilespmem:s28+$0xA9F0];
	[tilespmem:s26+$0x119C0] =	vst v6;
	v0 =	vadd.f32 v28, v7  }
0x83: {  	v6 =	vld [tilespmem:s28+$0x3980];
	[tilespmem:s26+$0x119D0] =	vst v5  }
0x84: {  	v5 =	vld [tilespmem:s28+$0x3990];
	[tilespmem:s26+$0x119E0] =	vst v0  }
0x85: {  	v0 =	vld [tilespmem:s28+$0x39A0]  }
0x86: {  	v31 =	vld [tilespmem:s28+$0x39B0]  }
0x87: {  	v32 =	vld [tilespmem:s28+$0x39C0]  }
0x88: {  	v33 =	vld [tilespmem:s28+$0x39D0]  }
0x89: {  	v34 =	vld [tilespmem:s28+$0x39E0]  }
0x8a: {  	v35 =	vld [tilespmem:s28+$0xE180]  }
0x8b: {  	v36 =	vld [tilespmem:s28+$0x7180]  }
0x8c: {  	v37 =	vld [tilespmem:s28+$0xE190]  }
0x8d: {  	v38 =	vld [tilespmem:s28+$0x7190]  }
0x8e: {  	v14 =	vld [tilespmem:s28+$0xE1A0]  }
0x8f: {  	v39 =	vld [tilespmem:s28+$0x71A0]  }
0x90: {  	v16 =	vld [tilespmem:s28+$0xE1B0]  }
0x91: {  	v17 =	vld [tilespmem:s28+$0x71B0]  }
0x92: {  	v29 =	vmul.f32 v15, v2;
	v18 =	vld [tilespmem:s28+$0xE1C0]  }
0x93: {  	v19 =	vld [tilespmem:s28+$0x71C0]  }
0x94: {  	v7 =	vadd.f32 v29, v13;
	v30 =	vmul.f32 v27, v1;
	v20 =	vld [tilespmem:s28+$0xE1D0];
	v4 =	vmul.f32 v4, v3  }
0x95: {  	v21 =	vld [tilespmem:s28+$0x71D0];
	v6 =	vmul.f32 v6, v2;
	v5 =	vmul.f32 v5, v2  }
0x96: {  	v41 =	vld [tilespmem:s28+$0xA980];
	v7 =	vadd.f32 v30, v7;
	v0 =	vmul.f32 v0, v2;
	v9 =	vmul.f32 v31, v2  }
0x97: {  	v45 =	vld [tilespmem:s28+$0xA9A0];
	v10 =	vmul.f32 v32, v2;
	v40 =	vmul.f32 v36, v1  }
0x98: {  	v22 =	vld [tilespmem:s28+$0xE1E0];
	v4 =	vadd.f32 v4, v7;
	v8 =	vmul.f32 v33, v2;
	v42 =	vmul.f32 v34, v2  }
0x99: {  	v43 =	vld [tilespmem:s28+$0xA990];
	v6 =	vadd.f32 v6, v35;
	v44 =	vmul.f32 v38, v1;
	v46 =	vmul.f32 v39, v1  }
0x9a: {  	v48 =	vld [tilespmem:s28+$0xA9B0];
	v47 =	vmul.f32 v17, v1;
	v50 =	vmul.f32 v19, v1  }
0x9b: {  	v23 =	vld [tilespmem:s28+$0x71E0];
	v12 =	vmul.f32 v41, v3;
	[tilespmem:s28+$0x119F0] =	vst v4;
	v4 =	vadd.f32 v5, v37;
	v6 =	vadd.f32 v40, v6  }
0x9c: {  	v51 =	vld [tilespmem:s28+$0xA9C0];
	v11 =	vmul.f32 v45, v3;
	v0 =	vadd.f32 v0, v14;
	v9 =	vadd.f32 v9, v16  }
0x9d: {  	v53 =	vld [tilespmem:s28+$0xA9E0];
	v54 =	vmul.f32 v21, v1;
	v49 =	vadd.f32 v10, v18;
	v8 =	vadd.f32 v8, v20  }
0x9e: {  	v52 =	vld [tilespmem:s28+$0xA9D0];
	v5 =	vmul.f32 v43, v3;
	v2 =	vadd.f32 v42, v22;
	v4 =	vadd.f32 v44, v4  }
0x9f: {  	v55 =	vmul.f32 v48, v3;
	v0 =	vadd.f32 v46, v0;
	v6 =	vadd.f32 v12, v6  }
0xa0: {  	v56 =	vmul.f32 v23, v1;
	v9 =	vadd.f32 v47, v9;
	v4 =	vadd.f32 v5, v4  }
0xa1: {  	v57 =	vmul.f32 v51, v3;
	v7 =	vadd.f32 v50, v49;
	[tilespmem:s28+$0x11980] =	vst v6;
	v0 =	vadd.f32 v11, v0  }
0xa2: {  	v61 =	vmul.f32 v53, v3;
	v1 =	vadd.f32 v56, v2;
	v58 =	vadd.f32 v55, v9;
	[tilespmem:s28+$0x11990] =	vst v4  }
0xa3: {  	v59 =	vmul.f32 v52, v3;
	v5 =	vadd.f32 v54, v8;
	v60 =	vadd.f32 v57, v7;
	[tilespmem:s28+$0x119A0] =	vst v0  }
0xa4: {  	v63 =	vadd.f32 v61, v1;
	[tilespmem:s28+$0x119B0] =	vst v58  }
0xa5: {  	s24 =	sadd.s32 $0x1, s24;
	v62 =	vadd.f32 v59, v5;
	[tilespmem:s28+$0x119C0] =	vst v60  }
0xa6: {  	p0 =	sne.s32 s24, $0xE;
	[tilespmem:s28+$0x119E0] =	vst v63  }
.Ltmp1:
0xa7: {  	s25 =	sadd.s32 s9, s25;
	[tilespmem:s28+$0x119D0] =	vst v62;
	(pc) =	sbr.rel @p0 .LBB2_2-.Ltmp1, $4  }
0xa8: {  	[hbm4b:s25+s2] =	stream.linear.scatter [tilespmem:s22], [sflag:$0x2], $0x3800, $0x38;
	[tilespmem:$0x15180] =	vst v63  }
0xa9: {  	_ =	swait.ge [sflag:s12], $0x3800  }
0xaa: {  	[sflag:s12] =	ssyncset.done $0x0  }
0xab: {  	[sflag:s12] =	ssyncadd.s32 $0xFFFFC800  }
0xac: {  	s23 =	sadd.s32 $0x1, s23  }
0xad: {  	p0 =	sne.s32 s23, s11  }
.Ltmp2:
0xae: {  	_ = 	snop;
	(pc) =	sbr.rel @p0 .LBB2_1-.Ltmp2, $1  }
0xaf: {  	_ =	sdelay $0x3  }
0xb0: {  	_ =	sfence.sel $0x180000  }
0xb1: {  	[bflag:$0x0] =	sbarrier.arrive $0xFFFF  }
0xb2: {  	p0 =	sne.s32 s3, $0x0;
	_ =	strace $0x9000004A  }
0xb3: {  	s0 =	sadd.s32 @!p0 $0x100000, s0;
	[bflag:$0x2] =	sbarrier.arrive $0xFFFF  }
0xb4: {  	[sflag:s0] =	ssyncadd.tile.s32 @!p0 $0x1;
	_ =	shalt  }
.Lfunc_end2:
_tile_overlayer_lowered:
.L_overlay_start_2:
0xb5: {  	(tag) =	ssettag $0x2  }
0xb6: {  	s0 =	rddreg [dreg:$0x0];
	s2 =	stileid.u32  }
0xb7: {  	s1 =	rddreg [dreg:$0x1];
	p0 =	sne.s32 s2, $0x0  }
0xb8: {  	s3 =	rddreg [dreg:$0x2];
	[bflag:$0x3] =	sbarrier.arrive $0xFFFF;
	s2 =	simm.s32 @!p0 $0x1C02  }
0xb9: {  	[timem:s3], [sflag:s2] =	dma.local @!p0 [hbm:s0], s1  }
0xba: {  	s0 =	simm.s32 @!p0 $0x2  }
0xbb: {  	_ =	swait.ge @!p0 [sflag:s0], s1  }
0xbc: {  	s1 =	ssub.s32 @!p0 $0x0, s1;
	[sflag:s0] =	ssyncset.done @!p0 $0x0  }
0xbd: {  	[sflag:s0] =	ssyncadd.s32 @!p0 s1  }
0xbe: {  	[bflag:$0x3] =	sbarrier.arrive $0xFFFF  }
0xbf: {  	_ =	shalt  }

// kernel: kernel.7.cloned.1.call-start
scs
__scs_entry_jumppad:
0x0: {  	(pc) =	sbr.rel $0x88, $3  }
0x1: {  	(tag) =	ssettag $0x0;
	lr =	simm.s32 $0x1  }
0x2: {  	[smem:$0x3F95] =	sst lr;
	_ =	strace $0xD0000000  }
0x3: {  	_ = 	snop  }
0x4: {  	_ = 	snop  }
0x5: {  	_ = 	snop  }
0x6: {  	_ = 	snop  }
0x7: {  	_ = 	snop  }
__scs_overlays_trampoline_lowered:
0x8: {  	[smem:$0x3FA4] =	sst s0  }
0x9: {  	[smem:$0x3FA5] =	sst s1  }
0xa: {  	[smem:$0x3FA6] =	sst s2  }
0xb: {  	[smem:$0x3FA7] =	sst s3  }
0xc: {  	[smem:$0x3FA8] =	sst s4  }
0xd: {  	[smem:$0x3FA9] =	sst s5  }
0xe: {  	[smem:$0x3FAA] =	sst s6  }
0xf: {  	[smem:$0x3FAB] =	sst s7  }
0x10: {  	[smem:$0x3FAC] =	sst s8  }
0x11: {  	[smem:$0x3FAD] =	sst s9;
	s0 =	simm.s32 @!p0 $0x0  }
0x12: {  	s1 =	sld [smem:$0x3F93];
	s0 =	simm.s32 @p0 $0x1  }
0x13: {  	[smem:$0x3FAE] =	sst s0;
	s0 =	simm.s32 @!p1 $0x0  }
0x14: {  	s2 =	sld [smem:$0x3F92];
	s0 =	simm.s32 @p1 $0x1  }
0x15: {  	[smem:$0x3FAF] =	sst s0;
	s0 =	simm.s32 @!p2 $0x0  }
0x16: {  	s3 =	sld [smem:$0x3FDB];
	s0 =	simm.s32 @p2 $0x1  }
0x17: {  	s4 =	simm.s32 $0x1BF5;
	[smem:$0x3FB1] =	sst s0  }
0x18: {  	s0 =	sld [smem:$0x3F94];
	_ =	swait.ge [sflag:s4], $0x0  }
0x19: {  	s7 =	sld [smem:$0x3F95]  }
0x1a: {  	s8 =	sadd.s32 $0xFFFFE003, lr  }
0x1b: {  	s9 =	sadd.s32 $0xFFFFFEF7, lr;
	s5 =	simm.s32 $0xFFFFFFFF;
	p2 =	slt.u32 s8, $0xFFFFF086  }
0x1c: {  	p1 =	slt.u32 s9, $0xF7A;
	s5 =	simm.s32 @!p2 $0x0  }
0x1d: {  	s5 =	simm.s32 @p1 $0x1;
	p0 =	seq.s32 s7, s2  }
0x1e: {  	s7 =	smul.u32 @!p0 $0xF7A, s2;
	p2 =	seq.s32 @!p0 s5, $0x0  }
0x1f: {  	s9 =	smul.u32 $0xF7A, s1;
	s8 =	simm.s32 @!p0 $0x1BF5;
	p2 =	por !p2, p0  }
0x20: {  	[sflag:s8] =	ssyncset.s32 @!p0 $0xFFFFF086;
	s6 =	sadd.s32 @!p0 s3, s7;
	s7 =	simm.s32 @!p0 $0x108  }
0x21: {  	s3 =	sadd.s32 s3, s9;
	s6 =	sadd.s32 @!p0 $0x88, s6;
	s7 =	simm.s32 @p2 $0x1082  }
0x22: {  	[simem:s7], [sflag:s8] =	dma.local @!p0 [hbm:s6], $0xF7A  }
0x23: {  	s9 =	sor.u32 $0xD0000000, s2;
	s6 =	simm.s32 $0x108;
	_ =	swait.ge @!p0 [sflag:s8], $0x0  }
0x24: {  	s3 =	sadd.s32 $0x88, s3;
	s6 =	simm.s32 @!p1 $0x1082;
	[sflag:s4] =	ssyncset.s32 $0xFFFFF086  }
0x25: {  	[simem:s6], [sflag:s4] =	dma.local [hbm:s3], $0xF7A  }
0x26: {  	[smem:$0x3F95] =	sst s1;
	(tag) =	ssettag s2;
	_ =	strace s9  }
0x27: {  	s1 =	sld [smem:$0x3FA5]  }
0x28: {  	s2 =	sld [smem:$0x3FA6]  }
0x29: {  	s4 =	sld [smem:$0x3FA8]  }
0x2a: {  	p0 =	seq.s32 s5, $0x0;
	s5 =	sld [smem:$0x3FA9]  }
0x2b: {  	s6 =	sld [smem:$0x3FAA]  }
0x2c: {  	s7 =	sld [smem:$0x3FAB]  }
0x2d: {  	s3 =	simm.s32 $0x108;
	s8 =	sld [smem:$0x3FAC]  }
0x2e: {  	s3 =	simm.s32 @!p0 $0x1082;
	s9 =	sld [smem:$0x3FAD]  }
0x2f: {  	lr =	sadd.s32 s0, s3;
	s0 =	sld [smem:$0x3FA4]  }
0x30: {  	s3 =	sld [smem:$0x3FA7]  }
0x31: {  	[smem:$0x3FB0] =	sst s10  }
0x32: {  	s10 =	sld [smem:$0x3FAE];
	_ =	sdelay $0x3  }
0x33: {  	p0 =	seq.s32 s10, $0x1;
	s10 =	sld [smem:$0x3FB0];
	_ =	sdelay $0x3  }
0x34: {  	[smem:$0x3FB0] =	sst s10  }
0x35: {  	s10 =	sld [smem:$0x3FAF];
	_ =	sdelay $0x3  }
0x36: {  	p1 =	seq.s32 s10, $0x1;
	s10 =	sld [smem:$0x3FB0];
	_ =	sdelay $0x3  }
0x37: {  	[smem:$0x3FB0] =	sst s10  }
0x38: {  	s10 =	sld [smem:$0x3FB1]  }
0x39: {  	_ = 	snop;
	(pc) =	sbr.ind lr, $3  }
0x3a: {  	_ = 	snop  }
0x3b: {  	_ = 	snop  }
0x3c: {  	p2 =	seq.s32 s10, $0x1;
	s10 =	sld [smem:$0x3FB0]  }
0x3d: {  	_ =	shalt  }
0x3e: {  	_ =	shalt  }
0x3f: {  	_ =	shalt  }
0x40: {  	_ =	shalt  }
0x41: {  	_ =	shalt  }
0x42: {  	_ =	shalt  }
0x43: {  	_ =	shalt  }
0x44: {  	_ =	shalt  }
0x45: {  	_ =	shalt  }
0x46: {  	_ =	shalt  }
0x47: {  	_ =	shalt  }
0x48: {  	_ =	shalt  }
0x49: {  	_ =	shalt  }
0x4a: {  	_ =	shalt  }
0x4b: {  	_ =	shalt  }
0x4c: {  	_ =	shalt  }
0x4d: {  	_ =	shalt  }
0x4e: {  	_ =	shalt  }
0x4f: {  	_ =	shalt  }
0x50: {  	_ =	shalt  }
0x51: {  	_ =	shalt  }
0x52: {  	_ =	shalt  }
0x53: {  	_ =	shalt  }
0x54: {  	_ =	shalt  }
0x55: {  	_ =	shalt  }
0x56: {  	_ =	shalt  }
0x57: {  	_ =	shalt  }
0x58: {  	_ =	shalt  }
0x59: {  	_ =	shalt  }
0x5a: {  	_ =	shalt  }
0x5b: {  	_ =	shalt  }
0x5c: {  	_ =	shalt  }
0x5d: {  	_ =	shalt  }
0x5e: {  	_ =	shalt  }
0x5f: {  	_ =	shalt  }
0x60: {  	_ =	shalt  }
0x61: {  	_ =	shalt  }
0x62: {  	_ =	shalt  }
0x63: {  	_ =	shalt  }
0x64: {  	_ =	shalt  }
0x65: {  	_ =	shalt  }
0x66: {  	_ =	shalt  }
0x67: {  	_ =	shalt  }
0x68: {  	_ =	shalt  }
0x69: {  	_ =	shalt  }
0x6a: {  	_ =	shalt  }
0x6b: {  	_ =	shalt  }
0x6c: {  	_ =	shalt  }
0x6d: {  	_ =	shalt  }
0x6e: {  	_ =	shalt  }
0x6f: {  	_ =	shalt  }
0x70: {  	_ =	shalt  }
0x71: {  	_ =	shalt  }
0x72: {  	_ =	shalt  }
0x73: {  	_ =	shalt  }
0x74: {  	_ =	shalt  }
0x75: {  	_ =	shalt  }
0x76: {  	_ =	shalt  }
0x77: {  	_ =	shalt  }
0x78: {  	_ =	shalt  }
0x79: {  	_ =	shalt  }
0x7a: {  	_ =	shalt  }
0x7b: {  	_ =	shalt  }
0x7c: {  	_ =	shalt  }
0x7d: {  	_ =	shalt  }
0x7e: {  	_ =	shalt  }
0x7f: {  	_ =	shalt  }
0x80: {  	_ =	shalt  }
0x81: {  	_ =	shalt  }
0x82: {  	_ =	shalt  }
0x83: {  	_ =	shalt  }
0x84: {  	_ =	shalt  }
0x85: {  	_ =	shalt  }
0x86: {  	_ =	shalt  }
0x87: {  	_ =	shalt  }
.Lfunc_end0:
.L_simem_size_0:
called_computation_lowered:
.L_overlay_start_0:
0x88: {  	s2 =	sld [smem:$0x3FD9]  }
0x89: {  	s3 =	sld [smem:$0x3FFE];
	_ =	sdelay $0x1  }
0x8a: {  	s1 =	srdreg.scid  }
0x8b: {  	s0 =	sand.u32 $0x1, s1  }
0x8c: {  	s16 =	sshll.u32 s0, $0xA;
	s2 =	sadd.s32 s3, s2  }
0x8d: {  	s2 =	sadd.s32 s2, s16  }
0x8e: {  	[smem:$0x3FBC] =	sst s2  }
0x8f: {  	_ = 	snop  }
0x90: {  	(tm) =	ssettm $0x1  }
0x91: {  	s17 =	sld [smem:$0x3FFB];
	_ =	sdelay $0x3  }
0x92: {  	_ =	strace s17  }
0x93: {  	s2 =	sld [smem:$0x3FFC];
	_ =	sdelay $0x3  }
0x94: {  	_ =	strace s2  }
0x95: {  	s2 =	sld [smem:$0x3FFD];
	_ =	sdelay $0x3  }
0x96: {  	_ =	strace s2  }
0x97: {  	_ =	strace $0x8FFFFFFF  }
0x98: {  	s18 =	sld [smem:$0x3FDB];
	_ =	sdelay $0x1  }
0x99: {  	s19 =	simm.s32 $_scs_section_size  }
0x9a: {  	s4 =	simm.s32 $_size__tile_overlayer_lowered;
	s5 =	simm.s32 $_tile_overlayer_lowered  }
0x9b: {  	s22 =	simm.s32 $0x1BFF;
	s21 =	sshll.u32 s5, $0x1;
	s2 =	sadd.s32 s19, s18  }
0x9c: {  	s6 =	simm.s32 $0x0;
	s20 =	sshll.u32 s4, $0x1;
	s4 =	sadd.s32 s21, s2  }
0x9d: {  	[timem:s6], [sflag:s22] =	dma.local [hbm:s4], s20  }
0x9e: {  	_ =	swait.ge [sflag:s22], s20  }
0x9f: {  	s3 =	ssub.s32 $0x0, s20;
	[sflag:s22] =	ssyncset.done $0x0  }
0xa0: {  	[sflag:s22] =	ssyncadd.s32 s3;
	_ =	sdelay $0x1  }
0xa1: {  	s23 =	simm.s32 $0x1B8B  }
0xa2: {  	_ =	swait.ge [sflag:s23], $0x1  }
0xa3: {  	[sflag:s23] =	ssyncset.done $0x0  }
0xa4: {  	s25 =	simm.s32 $0x1B8E;
	s24 =	sld [smem:$0x3FFE];
	[sflag:s23] =	ssyncadd.s32 $0xFFFFFFFF  }
0xa5: {  	s26 =	simm.s32 $execute0_lowered;
	[smem:$0x3FD2] =	sst s25  }
0xa6: {  	s4 =	sshll.u32 s26, $0x1;
	_ =	strace $0x80000046;
	[dreg:$0x1] =	wrdreg $0xFFFFFFFF  }
0xa7: {  	s28 =	simm.s32 $_size_execute0_lowered;
	s2 =	sadd.s32 s2, s4;
	[dreg:$0x0] =	wrdreg $0x0  }
0xa8: {  	s4 =	sshll.u32 s28, $0x1;
	[dreg:$0x2] =	wrdreg s2  }
0xa9: {  	[dreg:$0x3] =	wrdreg s4  }
0xaa: {  	[dreg:$0x4] =	wrdreg $0xC0  }
0xab: {  	_ =	task [dreg:s6], $0x5FFFF  }
0xac: {  	[dreg:$0x1] =	wrdreg $0xFFFFFFFF  }
0xad: {  	[dreg:$0x0] =	wrdreg $0x60  }
0xae: {  	[dreg:$0x2] =	wrdreg s24  }
0xaf: {  	[dreg:$0x3] =	wrdreg $0x9  }
0xb0: {  	_ =	task.clear_ibuf [dreg:s6], $0x4FFFF;
	_ =	strace $0x90000046  }
0xb1: {  	s29 =	simm.s32 $0x9;
	_ =	strace $0x80000048  }
0xb2: {  	_ =	swait.ge [sflag:s29], $0x1  }
0xb3: {  	[sflag:s29] =	ssyncadd.s32 $0xFFFFFFFF  }
0xb4: {  	_ =	strace $0x90000048  }
0xb5: {  	_ =	sfence  }
0xb6: {  	s30 =	sld [smem:$0x0];
	_ =	sdelay $0x2  }
0xb7: {  	s31 =	sshll.u32 s1, $0xD;
	s1 =	sshrl.u32 s1, $0x2  }
0xb8: {  	s3 =	sand.u32 $0x4000, s31;
	s1 =	sadd.s32 s1, s30  }
0xb9: {  	s0 =	sor.u32 s3, s0;
	s1 =	sshll.u32 s1, $0x11  }
0xba: {  	s0 =	sor.u32 s1, s0  }
0xbb: {  	s0 =	sadd.s32 $0x8F2B, s0  }
0xbc: {  	[sflag:s0] =	ssyncadd.remote.s32 $0x1  }
0xbd: {  	_ =	sfence.sel $0xFFFF  }
0xbe: {  	[dreg:$0x0] =	wrdreg $0xFFFFFFFF;
	(pc) =	sbr.abs _section_cstart, $3  }
0xbf: {  	[dreg:$0x1] =	wrdreg $0xFFFFFFFF  }
0xc0: {  	_ =	task.clear_ibuf [dreg:s6], $0x2FFFF;
	_ =	strace $0x9FFFFFFF  }
0xc1: {  	(tm) =	ssettm $0x7FFFFFFF  }
tec
execute0_lowered:
.L_overlay_start_1:
0x0: {  	(tag) =	ssettag $0x1  }
0x1: {  	s9 =	rddreg [dreg:$0x0]  }
0x2: {  	s0 =	rddreg [dreg:$0x1];
	s1 =	simm.s32 $0x0;
	s3 =	srdreg.scid  }
0x3: {  	s14 =	simm.s32 $0x100;
	s15 =	simm.s32 $0x70;
	s16 =	simm.s32 $0x3980  }
0x4: {  	s17 =	simm.s32 $0x7180;
	s18 =	simm.s32 $0xA980;
	s19 =	simm.s32 $0x180  }
0x5: {  	s20 =	simm.s32 $0xE180;
	s21 =	simm.s32 $0x1;
	s22 =	simm.s32 $0x11980  }
0x6: {  	s23 =	simm.s32 $0x0;
	[smem:$0x7FF] =	sst s1;
	s2 =	sadd.s32 $0xD3C00, s9  }
0x7: {  	s4 =	sadd.s32 $0x3E0200, s9;
	s5 =	sadd.s32 $0xCEE00, s9;
	s10 =	sand.u32 $0x1, s3  }
0x8: {  	s6 =	sadd.s32 $0xD0800, s9;
	s3 =	stileid.u32;
	s7 =	sadd.s32 $0xD2200, s9  }
0x9: {  	s8 =	sadd.s32 $0x196000, s9;
	s9 =	sadd.s32 $0x25A000, s9;
	s11 =	ssub.s32 $0x2, s10  }
0xa: {  	_ =	strace $0x80000047;
	s13 =	sshll.u32 s3, $0x1;
	s12 =	sshrl.u32 s11, $0x1  }
0xb: {  	s10 =	sor.u32 s10, s13;
	s13 =	simm.s32 $0x80;
	s11 =	ssub.s32 s11, s12  }
0xc: {  	s10 =	smul.u32 $0x620, s10;
	s12 =	simm.s32 $0x2;
	s11 =	smax.u32 s11, $0x1  }
.LBB2_1:
0xd: {  	s24 =	simm.s32 $0x0  }
.LBB2_2:
0xe: {  	s25 =	smul.u32 $0x70, s24;
	_ =	sdelay $0x1  }
0xf: {  	s25 =	sadd.s32 s10, s25  }
0x10: {  	s26 =	sshrl.u32 s25, $0x3  }
0x11: {  	s29 =	simm.s32 $0x0;
	s28 =	sadd.s32 s5, s26  }
0x12: {  	[tilespmem:s29], [sflag:$0x2] =	stream.linear.gather [hbm4b:s28+s29], $0x70, $0x38;
	[tilespmem:$0x15180] =	vst v63  }
0x13: {  	_ =	swait.ge [sflag:s12], $0x70  }
0x14: {  	[sflag:s12] =	ssyncset.done $0x0  }
0x15: {  	s28 =	sadd.s32 s6, s26;
	[sflag:s12] =	ssyncadd.s32 $0xFFFFFF90  }
0x16: {  	[tilespmem:s13], [sflag:$0x2] =	stream.linear.gather [hbm4b:s28+s29], $0x70, $0x38;
	[tilespmem:$0x15180] =	vst v63  }
0x17: {  	_ =	swait.ge [sflag:s12], $0x70  }
0x18: {  	[sflag:s12] =	ssyncset.done $0x0  }
0x19: {  	s26 =	sadd.s32 s7, s26;
	[sflag:s12] =	ssyncadd.s32 $0xFFFFFF90  }
0x1a: {  	[tilespmem:s14], [sflag:$0x2] =	stream.linear.gather [hbm4b:s26+s29], $0x70, $0x38;
	[tilespmem:$0x15180] =	vst v63  }
0x1b: {  	_ =	swait.ge [sflag:s12], $0x70  }
0x1c: {  	[sflag:s12] =	ssyncset.done $0x0  }
0x1d: {  	[sflag:s12] =	ssyncadd.s32 $0xFFFFFF90  }
0x1e: {  	[tilespmem:s16], [sflag:$0x1] =	stream.indirect.gather [hbm4b:s2+s15], $0x80, s29, s15, $0xb8;
	[tilespmem:$0x15180] =	vst v63  }
0x1f: {  	_ = 	snop  }
0x20: {  	[tilespmem:s17], [sflag:$0x1] =	stream.indirect.gather [hbm4b:s2+s15], $0x80, s13, s15, $0xb8;
	[tilespmem:$0x15180] =	vst v63  }
0x21: {  	s25 =	sshll.u32 s25, $0x4  }
0x22: {  	[tilespmem:s18], [sflag:$0x1] =	stream.indirect.gather [hbm4b:s2+s15], $0x80, s14, s15, $0xb8;
	[tilespmem:$0x15180] =	vst v63  }
0x23: {  	s30 =	sadd.s32 s8, s25  }
0x24: {  	[tilespmem:s19], [sflag:$0x2] =	stream.linear.gather [hbm4b:s30+s29], $0x3800, $0x38;
	[tilespmem:$0x15180] =	vst v63  }
0x25: {  	_ =	swait.ge [sflag:s12], $0x3800  }
0x26: {  	[sflag:s12] =	ssyncset.done $0x0  }
0x27: {  	s31 =	sadd.s32 s4, s25;
	[sflag:s12] =	ssyncadd.s32 $0xFFFFC800  }
0x28: {  	[tilespmem:s20], [sflag:$0x2] =	stream.linear.gather [hbm4b:s31+s29], $0x3800, $0x38;
	[tilespmem:$0x15180] =	vst v63  }
0x29: {  	_ =	swait.ge [sflag:s12], $0x3800  }
0x2a: {  	[sflag:s12] =	ssyncset.done $0x0  }
0x2b: {  	[sflag:s12] =	ssyncadd.s32 $0xFFFFC800  }
0x2c: {  	_ =	swait.ge [sflag:s21], $0x3800  }
0x2d: {  	[sflag:s21] =	ssyncset.done $0x0  }
0x2e: {  	[sflag:s21] =	ssyncadd.s32 $0xFFFFC800  }
0x2f: {  	_ =	swait.ge [sflag:s21], $0x3800  }
0x30: {  	[sflag:s21] =	ssyncset.done $0x0  }
0x31: {  	[sflag:s21] =	ssyncadd.s32 $0xFFFFC800  }
0x32: {  	_ =	swait.ge [sflag:s21], $0x3800  }
0x33: {  	[sflag:s21] =	ssyncset.done $0x0  }
0x34: {  	s26 =	simm.s32 $0x0;
	[sflag:s21] =	ssyncadd.s32 $0xFFFFC800  }
0x35: {  	v1 =	vld [tilespmem:s26+$0x190]  }
0x36: {  	v2 =	vld [tilespmem:s26+$0x180]  }
0x37: {  	v3 =	vld [tilespmem:s26+$0x39F0]  }
0x38: {  	v4 =	vld [tilespmem:s26+$0xE1F0]  }
0x39: {  	v5 =	vld [tilespmem:s26+$0x71F0]  }
0x3a: {  	v0 =	vld [tilespmem:s26+$0x1A0]  }
0x3b: {  	v6 =	vld [tilespmem:s26+$0xA9F0]  }
0x3c: {  	v7 =	vld [tilespmem:s26+$0x3980]  }
0x3d: {  	v8 =	vld [tilespmem:s26+$0x3990]  }
0x3e: {  	v9 =	vld [tilespmem:s26+$0x39A0]  }
0x3f: {  	v10 =	vld [tilespmem:s26+$0x39C0]  }
0x40: {  	v11 =	vld [tilespmem:s26+$0x39E0]  }
0x41: {  	v12 =	vld [tilespmem:s26+$0x7180]  }
0x42: {  	v13 =	vld [tilespmem:s26+$0x7190]  }
0x43: {  	v14 =	vld [tilespmem:s26+$0xE1A0];
	v3 =	vmul.f32 v3, v2  }
0x44: {  	v15 =	vld [tilespmem:s26+$0x71A0]  }
0x45: {  	v16 =	vld [tilespmem:s26+$0xE1B0];
	v3 =	vadd.f32 v3, v4;
	v4 =	vmul.f32 v5, v1  }
0x46: {  	v17 =	vld [tilespmem:s26+$0x71B0]  }
0x47: {  	v18 =	vld [tilespmem:s26+$0xE1C0];
	v3 =	vadd.f32 v4, v3;
	v4 =	vmul.f32 v6, v0  }
0x48: {  	v19 =	vld [tilespmem:s26+$0x71C0]  }
0x49: {  	v3 =	vadd.f32 v4, v3;
	v4 =	vld [tilespmem:s26+$0xE180]  }
0x4a: {  	v5 =	vld [tilespmem:s26+$0x39B0]  }
0x4b: {  	v20 =	vld [tilespmem:s26+$0xE1D0]  }
0x4c: {  	v7 =	vmul.f32 v7, v2;
	v6 =	vld [tilespmem:s26+$0x39D0]  }
0x4d: {  	[tilespmem:s26+$0x119F0] =	vst v3;
	v3 =	vld [tilespmem:s26+$0xE190]  }
0x4e: {  	v21 =	vld [tilespmem:s26+$0xE1E0];
	v10 =	vmul.f32 v10, v2;
	v4 =	vadd.f32 v7, v4;
	v7 =	vmul.f32 v12, v1  }
0x4f: {  	v8 =	vmul.f32 v8, v2;
	v5 =	vmul.f32 v5, v2;
	v12 =	vld [tilespmem:s26+$0x71D0]  }
0x50: {  	v9 =	vmul.f32 v9, v2;
	v10 =	vadd.f32 v10, v18;
	v22 =	vadd.f32 v7, v4;
	v7 =	vld [tilespmem:s26+$0x71E0]  }
0x51: {  	v5 =	vadd.f32 v5, v16;
	v6 =	vmul.f32 v6, v2;
	v4 =	vmul.f32 v13, v1;
	v13 =	vld [tilespmem:s26+$0xA980]  }
0x52: {  	v3 =	vadd.f32 v8, v3;
	v8 =	vadd.f32 v9, v14;
	v9 =	vmul.f32 v15, v1;
	v15 =	vld [tilespmem:s26+$0xA990]  }
0x53: {  	v62 =	vld [tilespmem:s26+$0xA9A0];
	v2 =	vmul.f32 v11, v2;
	v11 =	vadd.f32 v6, v20;
	v14 =	vmul.f32 v17, v1  }
0x54: {  	v63 =	vld [tilespmem:s26+$0xA9B0];
	v61 =	vadd.f32 v4, v3;
	v3 =	vadd.f32 v9, v8  }
0x55: {  	v4 =	vadd.f32 v14, v5;
	v5 =	vmul.f32 v19, v1;
	v8 =	vld [tilespmem:s26+$0xA9C0];
	v12 =	vmul.f32 v12, v1  }
0x56: {  	v2 =	vadd.f32 v2, v21;
	v9 =	vld [tilespmem:s26+$0xA9D0];
	v1 =	vmul.f32 v7, v1;
	v13 =	vmul.f32 v13, v0  }
0x57: {  	s28 =	simm.s32 $0x80;
	v6 =	vadd.f32 v5, v10;
	v10 =	vld [tilespmem:s26+$0xA9E0];
	v5 =	vadd.f32 v12, v11;
	v12 =	vmul.f32 v15, v0  }
0x58: {  	v11 =	vmul.f32 v62, v0;
	v7 =	vadd.f32 v1, v2;
	v1 =	vld [tilespmem:s28+$0x190];
	v13 =	vadd.f32 v13, v22  }
0x59: {  	s29 =	simm.s32 $0x400;
	v2 =	vld [tilespmem:s28+$0x180];
	v14 =	vadd.f32 v12, v61;
	v12 =	vmul.f32 v63, v0  }
.LBB2_3:
0x5a: {  	p0 =	sne.s32 s29, $0xDE00;
	v15 =	vld [tilespmem:s28+$0x39F0];
	[tilespmem:s26+$0x11980] =	vst v13;
	v3 =	vadd.f32 v11, v3;
	v8 =	vmul.f32 v8, v0  }
0x5b: {  	v11 =	vld [tilespmem:s28+$0xE1F0];
	[tilespmem:s26+$0x11990] =	vst v14;
	v4 =	vadd.f32 v12, v4;
	v9 =	vmul.f32 v9, v0  }
0x5c: {  	v12 =	vld [tilespmem:s28+$0x71F0];
	[tilespmem:s26+$0x119A0] =	vst v3;
	v3 =	vadd.f32 v8, v6;
	v6 =	vmul.f32 v10, v0  }
0x5d: {  	v0 =	vld [tilespmem:s28+$0x1A0];
	[tilespmem:s26+$0x119B0] =	vst v4;
	v4 =	vadd.f32 v9, v5  }
0x5e: {  	v5 =	vld [tilespmem:s28+$0xA9F0];
	[tilespmem:s26+$0x119C0] =	vst v3;
	v3 =	vadd.f32 v6, v7  }
0x5f: {  	v6 =	vld [tilespmem:s28+$0x3980];
	v7 =	vmul.f32 v15, v2;
	[tilespmem:s26+$0x119D0] =	vst v4  }
0x60: {  	v4 =	vld [tilespmem:s28+$0x3990];
	[tilespmem:s26+$0x119E0] =	vst v3;
	s26 =	smov.u32 s28  }
0x61: {  	v3 =	vld [tilespmem:s26+$0x39A0];
	v7 =	vadd.f32 v7, v11;
	v8 =	vmul.f32 v12, v1  }
0x62: {  	v9 =	vld [tilespmem:s26+$0x39B0]  }
0x63: {  	v10 =	vld [tilespmem:s26+$0x39C0];
	v7 =	vadd.f32 v8, v7;
	v5 =	vmul.f32 v5, v0  }
0x64: {  	v6 =	vmul.f32 v6, v2;
	v8 =	vld [tilespmem:s26+$0x39D0]  }
0x65: {  	v4 =	vmul.f32 v4, v2;
	v11 =	vld [tilespmem:s26+$0x39E0];
	v5 =	vadd.f32 v5, v7  }
0x66: {  	v7 =	vld [tilespmem:s26+$0xE180];
	v3 =	vmul.f32 v3, v2  }
0x67: {  	v12 =	vld [tilespmem:s26+$0x7180];
	v9 =	vmul.f32 v9, v2;
	[tilespmem:s26+$0x119F0] =	vst v5  }
0x68: {  	v5 =	vld [tilespmem:s26+$0xE190];
	v10 =	vmul.f32 v10, v2  }
0x69: {  	v13 =	vld [tilespmem:s26+$0x7190];
	v8 =	vmul.f32 v8, v2  }
0x6a: {  	v14 =	vld [tilespmem:s26+$0xE1A0];
	v2 =	vmul.f32 v11, v2  }
0x6b: {  	v6 =	vadd.f32 v6, v7;
	v7 =	vld [tilespmem:s26+$0x71A0]  }
0x6c: {  	v11 =	vmul.f32 v12, v1;
	v12 =	vld [tilespmem:s26+$0xE1B0]  }
0x6d: {  	v4 =	vadd.f32 v4, v5;
	v5 =	vld [tilespmem:s26+$0x71B0]  }
0x6e: {  	v11 =	vadd.f32 v11, v6;
	v6 =	vmul.f32 v13, v1;
	v13 =	vld [tilespmem:s26+$0xE1C0]  }
0x6f: {  	v3 =	vadd.f32 v3, v14;
	v14 =	vld [tilespmem:s26+$0x71C0]  }
0x70: {  	v15 =	vadd.f32 v6, v4;
	v4 =	vmul.f32 v7, v1;
	v6 =	vld [tilespmem:s26+$0xE1D0]  }
0x71: {  	v7 =	vadd.f32 v9, v12;
	v9 =	vld [tilespmem:s26+$0x71D0]  }
0x72: {  	v3 =	vadd.f32 v4, v3;
	v4 =	vmul.f32 v5, v1;
	v5 =	vld [tilespmem:s26+$0xE1E0]  }
0x73: {  	v10 =	vadd.f32 v10, v13;
	v12 =	vld [tilespmem:s26+$0x71E0]  }
0x74: {  	v13 =	vld [tilespmem:s26+$0xA980];
	v4 =	vadd.f32 v4, v7;
	v7 =	vmul.f32 v14, v1  }
0x75: {  	v14 =	vld [tilespmem:s26+$0xA990];
	v16 =	vadd.f32 v8, v6  }
0x76: {  	v17 =	vld [tilespmem:s26+$0xA9A0];
	v6 =	vadd.f32 v7, v10;
	v7 =	vmul.f32 v9, v1  }
0x77: {  	v18 =	vld [tilespmem:s26+$0xA9B0];
	v2 =	vadd.f32 v2, v5  }
.Ltmp0:
0x78: {  	v8 =	vld [tilespmem:s26+$0xA9C0];
	v5 =	vadd.f32 v7, v16;
	v1 =	vmul.f32 v12, v1;
	(pc) =	sbr.rel @p0 .LBB2_3-.Ltmp0, $4  }
0x79: {  	v12 =	vmul.f32 v13, v0;
	v9 =	vld [tilespmem:s26+$0xA9D0]  }
0x7a: {  	s28 =	sshra.s32 s29, $0x2;
	v14 =	vmul.f32 v14, v0;
	v7 =	vadd.f32 v1, v2;
	v10 =	vld [tilespmem:s26+$0xA9E0]  }
0x7b: {  	v1 =	vld [tilespmem:s28+$0x190];
	v13 =	vadd.f32 v12, v11;
	v11 =	vmul.f32 v17, v0  }
0x7c: {  	s29 =	sadd.s32 $0x200, s29;
	v2 =	vld [tilespmem:s28+$0x180];
	v14 =	vadd.f32 v14, v15;
	v12 =	vmul.f32 v18, v0  }
0x7d: {  	v15 =	vld [tilespmem:s28+$0x39F0];
	[tilespmem:s26+$0x11980] =	vst v13;
	v3 =	vadd.f32 v11, v3;
	v8 =	vmul.f32 v8, v0  }
0x7e: {  	v13 =	vld [tilespmem:s28+$0xE1F0];
	[tilespmem:s26+$0x11990] =	vst v14;
	v4 =	vadd.f32 v12, v4;
	v9 =	vmul.f32 v9, v0  }
0x7f: {  	v27 =	vld [tilespmem:s28+$0x71F0];
	[tilespmem:s26+$0x119A0] =	vst v3;
	v6 =	vadd.f32 v8, v6;
	v28 =	vmul.f32 v10, v0  }
0x80: {  	v3 =	vld [tilespmem:s28+$0x1A0];
	[tilespmem:s26+$0x119B0] =	vst v4;
	v5 =	vadd.f32 v9, v5  }
0x81: {  	v4 =	vld [tilespmem:s28+$0xA9F0];
	[tilespmem:s26+$0x119C0] =	vst v6;
	v0 =	vadd.f32 v28, v7  }
0x82: {  	v6 =	vld [tilespmem:s28+$0x3980];
	[tilespmem:s26+$0x119D0] =	vst v5  }
0x83: {  	v5 =	vld [tilespmem:s28+$0x3990];
	[tilespmem:s26+$0x119E0] =	vst v0  }
0x84: {  	v0 =	vld [tilespmem:s28+$0x39A0]  }
0x85: {  	v31 =	vld [tilespmem:s28+$0x39B0]  }
0x86: {  	v32 =	vld [tilespmem:s28+$0x39C0]  }
0x87: {  	v33 =	vld [tilespmem:s28+$0x39D0]  }
0x88: {  	v34 =	vld [tilespmem:s28+$0x39E0]  }
0x89: {  	v35 =	vld [tilespmem:s28+$0xE180]  }
0x8a: {  	v36 =	vld [tilespmem:s28+$0x7180]  }
0x8b: {  	v37 =	vld [tilespmem:s28+$0xE190]  }
0x8c: {  	v38 =	vld [tilespmem:s28+$0x7190]  }
0x8d: {  	v14 =	vld [tilespmem:s28+$0xE1A0]  }
0x8e: {  	v39 =	vld [tilespmem:s28+$0x71A0]  }
0x8f: {  	v16 =	vld [tilespmem:s28+$0xE1B0]  }
0x90: {  	v17 =	vld [tilespmem:s28+$0x71B0]  }
0x91: {  	v29 =	vmul.f32 v15, v2;
	v18 =	vld [tilespmem:s28+$0xE1C0]  }
0x92: {  	v19 =	vld [tilespmem:s28+$0x71C0]  }
0x93: {  	v7 =	vadd.f32 v29, v13;
	v30 =	vmul.f32 v27, v1;
	v20 =	vld [tilespmem:s28+$0xE1D0];
	v4 =	vmul.f32 v4, v3  }
0x94: {  	v21 =	vld [tilespmem:s28+$0x71D0];
	v6 =	vmul.f32 v6, v2;
	v5 =	vmul.f32 v5, v2  }
0x95: {  	v41 =	vld [tilespmem:s28+$0xA980];
	v7 =	vadd.f32 v30, v7;
	v0 =	vmul.f32 v0, v2;
	v9 =	vmul.f32 v31, v2  }
0x96: {  	v45 =	vld [tilespmem:s28+$0xA9A0];
	v10 =	vmul.f32 v32, v2;
	v40 =	vmul.f32 v36, v1  }
0x97: {  	v22 =	vld [tilespmem:s28+$0xE1E0];
	v4 =	vadd.f32 v4, v7;
	v8 =	vmul.f32 v33, v2;
	v42 =	vmul.f32 v34, v2  }
0x98: {  	v43 =	vld [tilespmem:s28+$0xA990];
	v6 =	vadd.f32 v6, v35;
	v44 =	vmul.f32 v38, v1;
	v46 =	vmul.f32 v39, v1  }
0x99: {  	v48 =	vld [tilespmem:s28+$0xA9B0];
	v47 =	vmul.f32 v17, v1;
	v50 =	vmul.f32 v19, v1  }
0x9a: {  	v23 =	vld [tilespmem:s28+$0x71E0];
	v12 =	vmul.f32 v41, v3;
	[tilespmem:s28+$0x119F0] =	vst v4;
	v4 =	vadd.f32 v5, v37;
	v6 =	vadd.f32 v40, v6  }
0x9b: {  	v51 =	vld [tilespmem:s28+$0xA9C0];
	v11 =	vmul.f32 v45, v3;
	v0 =	vadd.f32 v0, v14;
	v9 =	vadd.f32 v9, v16  }
0x9c: {  	v53 =	vld [tilespmem:s28+$0xA9E0];
	v54 =	vmul.f32 v21, v1;
	v49 =	vadd.f32 v10, v18;
	v8 =	vadd.f32 v8, v20  }
0x9d: {  	v52 =	vld [tilespmem:s28+$0xA9D0];
	v5 =	vmul.f32 v43, v3;
	v2 =	vadd.f32 v42, v22;
	v4 =	vadd.f32 v44, v4  }
0x9e: {  	v55 =	vmul.f32 v48, v3;
	v0 =	vadd.f32 v46, v0;
	v6 =	vadd.f32 v12, v6  }
0x9f: {  	v56 =	vmul.f32 v23, v1;
	v9 =	vadd.f32 v47, v9;
	v4 =	vadd.f32 v5, v4  }
0xa0: {  	v57 =	vmul.f32 v51, v3;
	v7 =	vadd.f32 v50, v49;
	[tilespmem:s28+$0x11980] =	vst v6;
	v0 =	vadd.f32 v11, v0  }
0xa1: {  	v61 =	vmul.f32 v53, v3;
	v1 =	vadd.f32 v56, v2;
	v58 =	vadd.f32 v55, v9;
	[tilespmem:s28+$0x11990] =	vst v4  }
0xa2: {  	v59 =	vmul.f32 v52, v3;
	v5 =	vadd.f32 v54, v8;
	v60 =	vadd.f32 v57, v7;
	[tilespmem:s28+$0x119A0] =	vst v0  }
0xa3: {  	v63 =	vadd.f32 v61, v1;
	[tilespmem:s28+$0x119B0] =	vst v58  }
0xa4: {  	s24 =	sadd.s32 $0x1, s24;
	v62 =	vadd.f32 v59, v5;
	[tilespmem:s28+$0x119C0] =	vst v60  }
0xa5: {  	p0 =	sne.s32 s24, $0xE;
	[tilespmem:s28+$0x119E0] =	vst v63  }
.Ltmp1:
0xa6: {  	s25 =	sadd.s32 s9, s25;
	[tilespmem:s28+$0x119D0] =	vst v62;
	(pc) =	sbr.rel @p0 .LBB2_2-.Ltmp1, $4  }
0xa7: {  	[hbm4b:s25+s1] =	stream.linear.scatter [tilespmem:s22], [sflag:$0x2], $0x3800, $0x38;
	[tilespmem:$0x15180] =	vst v63  }
0xa8: {  	_ =	swait.ge [sflag:s12], $0x3800  }
0xa9: {  	[sflag:s12] =	ssyncset.done $0x0  }
0xaa: {  	[sflag:s12] =	ssyncadd.s32 $0xFFFFC800  }
0xab: {  	s23 =	sadd.s32 $0x1, s23  }
0xac: {  	p0 =	sne.s32 s23, s11  }
.Ltmp2:
0xad: {  	_ = 	snop;
	(pc) =	sbr.rel @p0 .LBB2_1-.Ltmp2, $1  }
0xae: {  	_ =	sdelay $0x3  }
0xaf: {  	_ =	sfence.sel $0x180000  }
0xb0: {  	[bflag:$0x0] =	sbarrier.arrive $0xFFFF  }
0xb1: {  	p0 =	sne.s32 s3, $0x0;
	_ =	strace $0x90000047  }
0xb2: {  	s0 =	sadd.s32 @!p0 $0x100000, s0;
	[bflag:$0x2] =	sbarrier.arrive $0xFFFF  }
0xb3: {  	[sflag:s0] =	ssyncadd.tile.s32 @!p0 $0x1;
	_ =	shalt  }
.Lfunc_end2:
_tile_overlayer_lowered:
.L_overlay_start_2:
0xb4: {  	(tag) =	ssettag $0x2  }
0xb5: {  	s0 =	rddreg [dreg:$0x0];
	s2 =	stileid.u32  }
0xb6: {  	s1 =	rddreg [dreg:$0x1];
	p0 =	sne.s32 s2, $0x0  }
0xb7: {  	s3 =	rddreg [dreg:$0x2];
	[bflag:$0x3] =	sbarrier.arrive $0xFFFF;
	s2 =	simm.s32 @!p0 $0x1C02  }
0xb8: {  	[timem:s3], [sflag:s2] =	dma.local @!p0 [hbm:s0], s1  }
0xb9: {  	s0 =	simm.s32 @!p0 $0x2  }
0xba: {  	_ =	swait.ge @!p0 [sflag:s0], s1  }
0xbb: {  	s1 =	ssub.s32 @!p0 $0x0, s1;
	[sflag:s0] =	ssyncset.done @!p0 $0x0  }
0xbc: {  	[sflag:s0] =	ssyncadd.s32 @!p0 s1  }
0xbd: {  	[bflag:$0x3] =	sbarrier.arrive $0xFFFF  }
0xbe: {  	_ =	shalt  }

</sc_bundles>
